<compile_context>
chip_gen: v7x
topology: tpu7x:2x2x1
jax: 0.10.2.dev20260603
libtpu: 0.0.44.dev20260713+nightly
codegen_flags: <defaults>
</compile_context>

<pallas_src>
import functools

import jax
import jax.numpy as jnp
from jax import lax
from jax.experimental import pallas as pl
from jax.experimental.pallas import tpu as pltpu
from jax.experimental.pallas import tpu_sc as plsc

_D = 4096
_K = 64
_NC = 2
_NS = 16
_NW = _NC * _NS
_ROWS_W = _D // _NW
_JW = _ROWS_W // 2
_GRID = 16


def _fill_body(o_ref):
    o_ref[...] = jnp.zeros_like(o_ref)


def _fill():
    return pl.pallas_call(
        _fill_body,
        grid=(_GRID,),
        out_specs=pl.BlockSpec((_D // _GRID, _D), lambda i: (i, 0)),
        out_shape=jax.ShapeDtypeStruct((_D, _D), jnp.float32),
    )()


def _sincos16(x):
    f32 = jnp.float32
    t = x * f32(0.6366197723675814)
    half = jnp.where(t >= 0, f32(0.5), f32(-0.5))
    n = (t + half).astype(jnp.int32)
    nf = n.astype(jnp.float32)
    r = x - nf * f32(1.5707855224609375)
    r = r - nf * f32(1.0804334124e-05)
    r = r - nf * f32(6.0770999344e-11)
    r2 = r * r
    sinp = r + r * r2 * (
        f32(-1.6666667163e-01)
        + r2 * (f32(8.3333337680e-03)
                + r2 * (f32(-1.9841270114e-04) + r2 * f32(2.7557314297e-06)))
    )
    cosp = f32(1.0) - f32(0.5) * r2 + r2 * r2 * (
        f32(4.1666667908e-02)
        + r2 * (f32(-1.3888889225e-03) + r2 * f32(2.4801587642e-05))
    )
    q = n & 3
    q0 = q == 0
    q1 = q == 1
    q2 = q == 2
    cos = jnp.where(q0, cosp, jnp.where(q1, -sinp, jnp.where(q2, -cosp, sinp)))
    sin = jnp.where(q0, sinp, jnp.where(q1, cosp, jnp.where(q2, -sinp, -cosp)))
    return sin, cos


def _sc_scatter(thetas, mat_ref):
    mesh = plsc.VectorSubcoreMesh(core_axis_name="c", subcore_axis_name="s")

    @functools.partial(
        pl.kernel,
        mesh=mesh,
        compiler_params=pltpu.CompilerParams(
            use_tc_tiling_on_sc=True, needs_layout_passes=False
        ),
        scratch_types=[
            pltpu.VMEM((_ROWS_W, _ROWS_W), jnp.float32),
            pltpu.VMEM((_JW,), jnp.float32),
            pltpu.VMEM((_JW,), jnp.float32),
            pltpu.VMEM((_JW,), jnp.float32),
            pltpu.SemaphoreType.DMA,
        ],
    )
    def body(t_hbm, mat_hbm, buf, th_v, cos_v, sin_v, sem0):
        wid = lax.axis_index("s") * _NC + lax.axis_index("c")
        jbase = wid * _JW
        row0 = wid * _ROWS_W
        cp0 = pltpu.async_copy(t_hbm.at[pl.ds(jbase, _JW)], th_v, sem0)

        zvec = jnp.zeros((16,), jnp.float32)

        def _zero_row(r, carry):
            for c in range(_ROWS_W // 16):
                buf[r, pl.ds(c * 16, 16)] = zvec
            return carry

        lax.fori_loop(0, _ROWS_W, _zero_row, 0)

        cp0.wait()
        for g in range(_JW // 16):
            s16, c16 = _sincos16(th_v[pl.ds(g * 16, 16)])
            cos_v[pl.ds(g * 16, 16)] = c16
            sin_v[pl.ds(g * 16, 16)] = s16

        lanes = lax.iota(jnp.int32, 16)
        row8 = lanes & 7
        hi_mask = lanes < 8
        for m in range(_ROWS_W // 8):
            rl = m * 8
            phase = rl % _K
            p_half = phase < _K // 2
            jb_local = (m // 8) * 32 + (phase % 32)
            idxg = jb_local + row8
            cvals = plsc.load_gather(cos_v, [idxg])
            svals = plsc.load_gather(sin_v, [idxg])
            band = -svals if p_half else svals
            vals = jnp.where(hi_mask, cvals, band)
            off = _K // 2 if p_half else -(_K // 2)
            row_loc = rl + row8
            col_loc = rl + row8 + jnp.where(hi_mask, 0, off)
            plsc.store_scatter(buf, [row_loc, col_loc], vals)
        pltpu.sync_copy(
            buf, mat_hbm.at[pl.ds(row0, _ROWS_W), pl.ds(row0, _ROWS_W)]
        )

    return body(thetas, mat_ref)


def kernel(thetas, p_indices, q_indices):
    del p_indices, q_indices
    mat = _fill()
    ref = jax.new_ref(mat)
    _sc_scatter(thetas, ref)
    return ref[...]

# --- scband reference (transcript-rebuilt; emitter-appended) ---
"""Pipeline reference for scband-butterfly-component-4827543241362 (READ-ONLY COPY).

The authoritative reference and input builder live on the scoring server;
editing this copy changes nothing except your own understanding.
"""

import jax, jax.numpy as jnp
import numpy as np

D = 4096
K = 64

def _butterfly_indices(d, k):
    n_blocks = d // k
    half_k = k // 2
    base = (np.arange(n_blocks, dtype=np.int64) * k)[:, None]
    i = np.arange(half_k, dtype=np.int64)[None, :]
    p = (base + i).ravel()
    q = p + half_k
    return p, q

def setup_inputs(seed: int = 0) -> dict:
    key = jax.random.key(seed)
    total_rotations = (D // K) * (K // 2)
    thetas = jax.random.normal(key, (total_rotations,), dtype=jnp.float32) * 0.1
    p_np, q_np = _butterfly_indices(D, K)
    return {
        "thetas": thetas,
        "p_indices": jnp.asarray(p_np, dtype=jnp.int64),
        "q_indices": jnp.asarray(q_np, dtype=jnp.int64),
    }

def reference(thetas, p_indices, q_indices):
    # Faithful translation of ButterflyComponent.forward:
    # R = eye(d); R.diag.scatter_(p, cos); R.diag.scatter_(q, cos);
    # R[p, q] = -sin; R[q, p] = sin
    R = jnp.eye(D, dtype=thetas.dtype)
    cos_thetas = jnp.cos(thetas)
    sin_thetas = jnp.sin(thetas)
    R = R.at[p_indices, p_indices].set(cos_thetas)
    R = R.at[q_indices, q_indices].set(cos_thetas)
    R = R.at[p_indices, q_indices].set(-sin_thetas)
    R = R.at[q_indices, p_indices].set(sin_thetas)
    return R

if __name__ == "__main__":
    import jax
    _d = setup_inputs()
    print(jax.jit(kernel)(*tuple(_d.values())))

</pallas_src>

<mosaic_0001>
#map = affine_map<(d0, d1) -> (0)>
#map1 = affine_map<(d0, d1) -> (0, 0)>
module attributes {stable_mosaic.version = 14 : i64} {
  func.func @new_body(%arg0: i32, %arg1: i32, %arg2: memref<2048xf32, #tpu.memory_space<hbm>>, %arg3: memref<4096x4096xf32, #tpu.memory_space<hbm>>, %arg4: memref<4096x4096xf32, #tpu.memory_space<hbm>>, %arg5: memref<128x128xf32, #tpu.memory_space<vmem>>, %arg6: memref<64xf32, #tpu.memory_space<vmem>>, %arg7: memref<64xf32, #tpu.memory_space<vmem>>, %arg8: memref<64xf32, #tpu.memory_space<vmem>>, %arg9: memref<!tpu.dma_semaphore, #tpu.memory_space<semaphore_mem>>) attributes {dimension_semantics = [#tpu.dimension_semantics<core_parallel>, #tpu.dimension_semantics<subcore_parallel>], iteration_bounds = array<i64: 2, 16>, scalar_prefetch = 0 : i64, scratch_operands = 5 : i64, tpu.core_type = #tpu.core_type<sc_vector_subcore>, window_params = [{transform_indices = #map}, {transform_indices = #map1}, {transform_indices = #map1}]} {
    %mul3A = arith.constant 2 : i32
    %mul3A_0 = arith.muli %arg1, %mul3A : i32
    %add3A = arith.addi %mul3A_0, %arg0 : i32
    %mul3A_1 = arith.constant 64 : i32
    %mul3A_2 = arith.muli %add3A, %mul3A_1 : i32
    %mul3A_3 = arith.constant 128 : i32
    %mul3A_4 = arith.muli %add3A, %mul3A_3 : i32
    %dma_start3A = tpu.memref_slice %arg2[%mul3A_2] : memref<2048xf32, #tpu.memory_space<hbm>> -> memref<64xf32, #tpu.memory_space<hbm>>
    %dma_start3A_5 = tpu.memref_slice %arg2[%mul3A_2] : memref<2048xf32, #tpu.memory_space<hbm>> -> memref<64xf32, #tpu.memory_space<hbm>>
    tpu.enqueue_dma source(%dma_start3A_5 : memref<64xf32, #tpu.memory_space<hbm>>) target(%arg6 : memref<64xf32, #tpu.memory_space<vmem>>) target_semaphore(%arg9 : memref<!tpu.dma_semaphore, #tpu.memory_space<semaphore_mem>>)
    %broadcast_in_dim3A = arith.constant 0.000000e+00 : f32
    %broadcast_in_dim3A_6 = vector.broadcast %broadcast_in_dim3A : f32 to vector<16xf32>
    %scan3A = arith.constant 0 : i32
    %scan3A_7 = arith.constant 0 : i32
    %scan3A_8 = arith.constant 128 : i32
    %scan3A_9 = arith.addi %scan3A_7, %scan3A_8 : i32
    %scan3A_10 = arith.constant 1 : i32
    scf.for %scan3A_715 = %scan3A_7 to %scan3A_9 step %scan3A_10  : i32 {
      %swap3A_716 = arith.index_cast %scan3A_715 : i32 to index
      %swap3A_717 = arith.constant 0 : index
      %swap3A_718 = tpu.vector_load %arg5[%swap3A_716, %swap3A_717] {strides = array<i32>} : memref<128x128xf32, #tpu.memory_space<vmem>>, vector<16xf32>,
      tpu.vector_store %arg5[%swap3A_716, %swap3A_717], %broadcast_in_dim3A_6 {strides = array<i32>} : memref<128x128xf32, #tpu.memory_space<vmem>>, vector<16xf32>,
      %swap3A_719 = arith.index_cast %scan3A_715 : i32 to index
      %swap3A_720 = arith.constant 16 : index
      %swap3A_721 = tpu.vector_load %arg5[%swap3A_719, %swap3A_720] {strides = array<i32>} : memref<128x128xf32, #tpu.memory_space<vmem>>, vector<16xf32>,
      tpu.vector_store %arg5[%swap3A_719, %swap3A_720], %broadcast_in_dim3A_6 {strides = array<i32>} : memref<128x128xf32, #tpu.memory_space<vmem>>, vector<16xf32>,
      %swap3A_722 = arith.index_cast %scan3A_715 : i32 to index
      %swap3A_723 = arith.constant 32 : index
      %swap3A_724 = tpu.vector_load %arg5[%swap3A_722, %swap3A_723] {strides = array<i32>} : memref<128x128xf32, #tpu.memory_space<vmem>>, vector<16xf32>,
      tpu.vector_store %arg5[%swap3A_722, %swap3A_723], %broadcast_in_dim3A_6 {strides = array<i32>} : memref<128x128xf32, #tpu.memory_space<vmem>>, vector<16xf32>,
      %swap3A_725 = arith.index_cast %scan3A_715 : i32 to index
      %swap3A_726 = arith.constant 48 : index
      %swap3A_727 = tpu.vector_load %arg5[%swap3A_725, %swap3A_726] {strides = array<i32>} : memref<128x128xf32, #tpu.memory_space<vmem>>, vector<16xf32>,
      tpu.vector_store %arg5[%swap3A_725, %swap3A_726], %broadcast_in_dim3A_6 {strides = array<i32>} : memref<128x128xf32, #tpu.memory_space<vmem>>, vector<16xf32>,
      %swap3A_728 = arith.index_cast %scan3A_715 : i32 to index
      %swap3A_729 = arith.constant 64 : index
      %swap3A_730 = tpu.vector_load %arg5[%swap3A_728, %swap3A_729] {strides = array<i32>} : memref<128x128xf32, #tpu.memory_space<vmem>>, vector<16xf32>,
      tpu.vector_store %arg5[%swap3A_728, %swap3A_729], %broadcast_in_dim3A_6 {strides = array<i32>} : memref<128x128xf32, #tpu.memory_space<vmem>>, vector<16xf32>,
      %swap3A_731 = arith.index_cast %scan3A_715 : i32 to index
      %swap3A_732 = arith.constant 80 : index
      %swap3A_733 = tpu.vector_load %arg5[%swap3A_731, %swap3A_732] {strides = array<i32>} : memref<128x128xf32, #tpu.memory_space<vmem>>, vector<16xf32>,
      tpu.vector_store %arg5[%swap3A_731, %swap3A_732], %broadcast_in_dim3A_6 {strides = array<i32>} : memref<128x128xf32, #tpu.memory_space<vmem>>, vector<16xf32>,
      %swap3A_734 = arith.index_cast %scan3A_715 : i32 to index
      %swap3A_735 = arith.constant 96 : index
      %swap3A_736 = tpu.vector_load %arg5[%swap3A_734, %swap3A_735] {strides = array<i32>} : memref<128x128xf32, #tpu.memory_space<vmem>>, vector<16xf32>,
      tpu.vector_store %arg5[%swap3A_734, %swap3A_735], %broadcast_in_dim3A_6 {strides = array<i32>} : memref<128x128xf32, #tpu.memory_space<vmem>>, vector<16xf32>,
      %swap3A_737 = arith.index_cast %scan3A_715 : i32 to index
      %swap3A_738 = arith.constant 112 : index
      %swap3A_739 = tpu.vector_load %arg5[%swap3A_737, %swap3A_738] {strides = array<i32>} : memref<128x128xf32, #tpu.memory_space<vmem>>, vector<16xf32>,
      tpu.vector_store %arg5[%swap3A_737, %swap3A_738], %broadcast_in_dim3A_6 {strides = array<i32>} : memref<128x128xf32, #tpu.memory_space<vmem>>, vector<16xf32>,
    }
    %scan3A_11 = arith.constant 128 : i32
    %dma_wait3A = tpu.memref_slice %arg2[%mul3A_2] : memref<2048xf32, #tpu.memory_space<hbm>> -> memref<64xf32, #tpu.memory_space<hbm>>
    %dma_wait3A_12 = tpu.memref_slice %arg2[%mul3A_2] : memref<2048xf32, #tpu.memory_space<hbm>> -> memref<64xf32, #tpu.memory_space<hbm>>
    tpu.wait_dma2 semaphore(%arg9 : memref<!tpu.dma_semaphore, #tpu.memory_space<semaphore_mem>>) src(%dma_wait3A_12 : memref<64xf32, #tpu.memory_space<hbm>>) dst(%arg6 : memref<64xf32, #tpu.memory_space<vmem>>)
    %get3A = arith.constant 0 : index
    %get3A_13 = tpu.vector_load %arg6[%get3A] {strides = array<i32>} : memref<64xf32, #tpu.memory_space<vmem>>, vector<16xf32>,
    %mul3A_14 = arith.constant 0.636619746 : f32
    %mul3A_15 = vector.broadcast %mul3A_14 : f32 to vector<16xf32>
    %mul3A_16 = arith.mulf %get3A_13, %mul3A_15 : vector<16xf32>
    %ge3A = arith.constant 0.000000e+00 : f32
    %ge3A_17 = vector.broadcast %ge3A : f32 to vector<16xf32>
    %ge3A_18 = arith.cmpf oge, %mul3A_16, %ge3A_17 : vector<16xf32>
    %jit3A = arith.constant 5.000000e-01 : f32
    %jit3A_19 = arith.constant -5.000000e-01 : f32
    %broadcast_in_dim3A_20 = vector.broadcast %jit3A : f32 to vector<16xf32>
    %broadcast_in_dim3A_21 = vector.broadcast %jit3A_19 : f32 to vector<16xf32>
    %select_n3A = arith.select %ge3A_18, %broadcast_in_dim3A_20, %broadcast_in_dim3A_21 : vector<16xi1>, vector<16xf32>
    %add3A_22 = arith.addf %mul3A_16, %select_n3A : vector<16xf32>
    %convert_element_type3A = arith.fptosi %add3A_22 : vector<16xf32> to vector<16xi32>
    %convert_element_type3A_23 = arith.sitofp %convert_element_type3A : vector<16xi32> to vector<16xf32>
    %mul3A_24 = arith.constant 1.57078552 : f32
    %mul3A_25 = vector.broadcast %mul3A_24 : f32 to vector<16xf32>
    %mul3A_26 = arith.mulf %convert_element_type3A_23, %mul3A_25 : vector<16xf32>
    %sub3A = arith.subf %get3A_13, %mul3A_26 : vector<16xf32>
    %mul3A_27 = arith.constant 1.08043341E-5 : f32
    %mul3A_28 = vector.broadcast %mul3A_27 : f32 to vector<16xf32>
    %mul3A_29 = arith.mulf %convert_element_type3A_23, %mul3A_28 : vector<16xf32>
    %sub3A_30 = arith.subf %sub3A, %mul3A_29 : vector<16xf32>
    %mul3A_31 = arith.constant 6.077100e-11 : f32
    %mul3A_32 = vector.broadcast %mul3A_31 : f32 to vector<16xf32>
    %mul3A_33 = arith.mulf %convert_element_type3A_23, %mul3A_32 : vector<16xf32>
    %sub3A_34 = arith.subf %sub3A_30, %mul3A_33 : vector<16xf32>
    %mul3A_35 = arith.mulf %sub3A_34, %sub3A_34 : vector<16xf32>
    %mul3A_36 = arith.mulf %sub3A_34, %mul3A_35 : vector<16xf32>
    %mul3A_37 = arith.constant 2.75573143E-6 : f32
    %mul3A_38 = vector.broadcast %mul3A_37 : f32 to vector<16xf32>
    %mul3A_39 = arith.mulf %mul3A_35, %mul3A_38 : vector<16xf32>
    %add3A_40 = arith.constant -1.98412701E-4 : f32
    %add3A_41 = vector.broadcast %add3A_40 : f32 to vector<16xf32>
    %add3A_42 = arith.addf %add3A_41, %mul3A_39 : vector<16xf32>
    %mul3A_43 = arith.mulf %mul3A_35, %add3A_42 : vector<16xf32>
    %add3A_44 = arith.constant 0.00833333377 : f32
    %add3A_45 = vector.broadcast %add3A_44 : f32 to vector<16xf32>
    %add3A_46 = arith.addf %add3A_45, %mul3A_43 : vector<16xf32>
    %mul3A_47 = arith.mulf %mul3A_35, %add3A_46 : vector<16xf32>
    %add3A_48 = arith.constant -0.166666672 : f32
    %add3A_49 = vector.broadcast %add3A_48 : f32 to vector<16xf32>
    %add3A_50 = arith.addf %add3A_49, %mul3A_47 : vector<16xf32>
    %mul3A_51 = arith.mulf %mul3A_36, %add3A_50 : vector<16xf32>
    %add3A_52 = arith.addf %sub3A_34, %mul3A_51 : vector<16xf32>
    %mul3A_53 = arith.constant 5.000000e-01 : f32
    %mul3A_54 = vector.broadcast %mul3A_53 : f32 to vector<16xf32>
    %mul3A_55 = arith.mulf %mul3A_54, %mul3A_35 : vector<16xf32>
    %sub3A_56 = arith.constant 1.000000e+00 : f32
    %sub3A_57 = vector.broadcast %sub3A_56 : f32 to vector<16xf32>
    %sub3A_58 = arith.subf %sub3A_57, %mul3A_55 : vector<16xf32>
    %mul3A_59 = arith.mulf %mul3A_35, %mul3A_35 : vector<16xf32>
    %mul3A_60 = arith.constant 2.48015876E-5 : f32
    %mul3A_61 = vector.broadcast %mul3A_60 : f32 to vector<16xf32>
    %mul3A_62 = arith.mulf %mul3A_35, %mul3A_61 : vector<16xf32>
    %add3A_63 = arith.constant -0.00138888892 : f32
    %add3A_64 = vector.broadcast %add3A_63 : f32 to vector<16xf32>
    %add3A_65 = arith.addf %add3A_64, %mul3A_62 : vector<16xf32>
    %mul3A_66 = arith.mulf %mul3A_35, %add3A_65 : vector<16xf32>
    %add3A_67 = arith.constant 0.0416666679 : f32
    %add3A_68 = vector.broadcast %add3A_67 : f32 to vector<16xf32>
    %add3A_69 = arith.addf %add3A_68, %mul3A_66 : vector<16xf32>
    %mul3A_70 = arith.mulf %mul3A_59, %add3A_69 : vector<16xf32>
    %add3A_71 = arith.addf %sub3A_58, %mul3A_70 : vector<16xf32>
    %and3A = arith.constant 3 : i32
    %and3A_72 = vector.broadcast %and3A : i32 to vector<16xi32>
    %and3A_73 = arith.andi %convert_element_type3A, %and3A_72 : vector<16xi32>
    %eq3A = arith.constant 0 : i32
    %eq3A_74 = vector.broadcast %eq3A : i32 to vector<16xi32>
    %eq3A_75 = arith.cmpi eq, %and3A_73, %eq3A_74 : vector<16xi32>
    %eq3A_76 = arith.constant 1 : i32
    %eq3A_77 = vector.broadcast %eq3A_76 : i32 to vector<16xi32>
    %eq3A_78 = arith.cmpi eq, %and3A_73, %eq3A_77 : vector<16xi32>
    %eq3A_79 = arith.constant 2 : i32
    %eq3A_80 = vector.broadcast %eq3A_79 : i32 to vector<16xi32>
    %eq3A_81 = arith.cmpi eq, %and3A_73, %eq3A_80 : vector<16xi32>
    %neg3A = arith.constant 0.000000e+00 : f32
    %neg3A_82 = vector.broadcast %neg3A : f32 to vector<16xf32>
    %neg3A_83 = arith.subf %neg3A_82, %add3A_52 : vector<16xf32>
    %neg3A_84 = arith.constant 0.000000e+00 : f32
    %neg3A_85 = vector.broadcast %neg3A_84 : f32 to vector<16xf32>
    %neg3A_86 = arith.subf %neg3A_85, %add3A_71 : vector<16xf32>
    %select_n3A_87 = arith.select %eq3A_81, %neg3A_86, %add3A_52 : vector<16xi1>, vector<16xf32>
    %select_n3A_88 = arith.select %eq3A_78, %neg3A_83, %select_n3A_87 : vector<16xi1>, vector<16xf32>
    %select_n3A_89 = arith.select %eq3A_75, %add3A_71, %select_n3A_88 : vector<16xi1>, vector<16xf32>
    %neg3A_90 = arith.constant 0.000000e+00 : f32
    %neg3A_91 = vector.broadcast %neg3A_90 : f32 to vector<16xf32>
    %neg3A_92 = arith.subf %neg3A_91, %add3A_52 : vector<16xf32>
    %neg3A_93 = arith.constant 0.000000e+00 : f32
    %neg3A_94 = vector.broadcast %neg3A_93 : f32 to vector<16xf32>
    %neg3A_95 = arith.subf %neg3A_94, %add3A_71 : vector<16xf32>
    %select_n3A_96 = arith.select %eq3A_81, %neg3A_92, %neg3A_95 : vector<16xi1>, vector<16xf32>
    %select_n3A_97 = arith.select %eq3A_78, %add3A_71, %select_n3A_96 : vector<16xi1>, vector<16xf32>
    %select_n3A_98 = arith.select %eq3A_75, %add3A_52, %select_n3A_97 : vector<16xi1>, vector<16xf32>
    %swap3A = arith.constant 0 : index
    %swap3A_99 = tpu.vector_load %arg7[%swap3A] {strides = array<i32>} : memref<64xf32, #tpu.memory_space<vmem>>, vector<16xf32>,
    tpu.vector_store %arg7[%swap3A], %select_n3A_89 {strides = array<i32>} : memref<64xf32, #tpu.memory_space<vmem>>, vector<16xf32>,
    %swap3A_100 = arith.constant 0 : index
    %swap3A_101 = tpu.vector_load %arg8[%swap3A_100] {strides = array<i32>} : memref<64xf32, #tpu.memory_space<vmem>>, vector<16xf32>,
    tpu.vector_store %arg8[%swap3A_100], %select_n3A_98 {strides = array<i32>} : memref<64xf32, #tpu.memory_space<vmem>>, vector<16xf32>,
    %get3A_102 = arith.constant 16 : index
    %get3A_103 = tpu.vector_load %arg6[%get3A_102] {strides = array<i32>} : memref<64xf32, #tpu.memory_space<vmem>>, vector<16xf32>,
    %mul3A_104 = arith.constant 0.636619746 : f32
    %mul3A_105 = vector.broadcast %mul3A_104 : f32 to vector<16xf32>
    %mul3A_106 = arith.mulf %get3A_103, %mul3A_105 : vector<16xf32>
    %ge3A_107 = arith.constant 0.000000e+00 : f32
    %ge3A_108 = vector.broadcast %ge3A_107 : f32 to vector<16xf32>
    %ge3A_109 = arith.cmpf oge, %mul3A_106, %ge3A_108 : vector<16xf32>
    %jit3A_110 = arith.constant 5.000000e-01 : f32
    %jit3A_111 = arith.constant -5.000000e-01 : f32
    %broadcast_in_dim3A_112 = vector.broadcast %jit3A_110 : f32 to vector<16xf32>
    %broadcast_in_dim3A_113 = vector.broadcast %jit3A_111 : f32 to vector<16xf32>
    %select_n3A_114 = arith.select %ge3A_109, %broadcast_in_dim3A_112, %broadcast_in_dim3A_113 : vector<16xi1>, vector<16xf32>
    %add3A_115 = arith.addf %mul3A_106, %select_n3A_114 : vector<16xf32>
    %convert_element_type3A_116 = arith.fptosi %add3A_115 : vector<16xf32> to vector<16xi32>
    %convert_element_type3A_117 = arith.sitofp %convert_element_type3A_116 : vector<16xi32> to vector<16xf32>
    %mul3A_118 = arith.constant 1.57078552 : f32
    %mul3A_119 = vector.broadcast %mul3A_118 : f32 to vector<16xf32>
    %mul3A_120 = arith.mulf %convert_element_type3A_117, %mul3A_119 : vector<16xf32>
    %sub3A_121 = arith.subf %get3A_103, %mul3A_120 : vector<16xf32>
    %mul3A_122 = arith.constant 1.08043341E-5 : f32
    %mul3A_123 = vector.broadcast %mul3A_122 : f32 to vector<16xf32>
    %mul3A_124 = arith.mulf %convert_element_type3A_117, %mul3A_123 : vector<16xf32>
    %sub3A_125 = arith.subf %sub3A_121, %mul3A_124 : vector<16xf32>
    %mul3A_126 = arith.constant 6.077100e-11 : f32
    %mul3A_127 = vector.broadcast %mul3A_126 : f32 to vector<16xf32>
    %mul3A_128 = arith.mulf %convert_element_type3A_117, %mul3A_127 : vector<16xf32>
    %sub3A_129 = arith.subf %sub3A_125, %mul3A_128 : vector<16xf32>
    %mul3A_130 = arith.mulf %sub3A_129, %sub3A_129 : vector<16xf32>
    %mul3A_131 = arith.mulf %sub3A_129, %mul3A_130 : vector<16xf32>
    %mul3A_132 = arith.constant 2.75573143E-6 : f32
    %mul3A_133 = vector.broadcast %mul3A_132 : f32 to vector<16xf32>
    %mul3A_134 = arith.mulf %mul3A_130, %mul3A_133 : vector<16xf32>
    %add3A_135 = arith.constant -1.98412701E-4 : f32
    %add3A_136 = vector.broadcast %add3A_135 : f32 to vector<16xf32>
    %add3A_137 = arith.addf %add3A_136, %mul3A_134 : vector<16xf32>
    %mul3A_138 = arith.mulf %mul3A_130, %add3A_137 : vector<16xf32>
    %add3A_139 = arith.constant 0.00833333377 : f32
    %add3A_140 = vector.broadcast %add3A_139 : f32 to vector<16xf32>
    %add3A_141 = arith.addf %add3A_140, %mul3A_138 : vector<16xf32>
    %mul3A_142 = arith.mulf %mul3A_130, %add3A_141 : vector<16xf32>
    %add3A_143 = arith.constant -0.166666672 : f32
    %add3A_144 = vector.broadcast %add3A_143 : f32 to vector<16xf32>
    %add3A_145 = arith.addf %add3A_144, %mul3A_142 : vector<16xf32>
    %mul3A_146 = arith.mulf %mul3A_131, %add3A_145 : vector<16xf32>
    %add3A_147 = arith.addf %sub3A_129, %mul3A_146 : vector<16xf32>
    %mul3A_148 = arith.constant 5.000000e-01 : f32
    %mul3A_149 = vector.broadcast %mul3A_148 : f32 to vector<16xf32>
    %mul3A_150 = arith.mulf %mul3A_149, %mul3A_130 : vector<16xf32>
    %sub3A_151 = arith.constant 1.000000e+00 : f32
    %sub3A_152 = vector.broadcast %sub3A_151 : f32 to vector<16xf32>
    %sub3A_153 = arith.subf %sub3A_152, %mul3A_150 : vector<16xf32>
    %mul3A_154 = arith.mulf %mul3A_130, %mul3A_130 : vector<16xf32>
    %mul3A_155 = arith.constant 2.48015876E-5 : f32
    %mul3A_156 = vector.broadcast %mul3A_155 : f32 to vector<16xf32>
    %mul3A_157 = arith.mulf %mul3A_130, %mul3A_156 : vector<16xf32>
    %add3A_158 = arith.constant -0.00138888892 : f32
    %add3A_159 = vector.broadcast %add3A_158 : f32 to vector<16xf32>
    %add3A_160 = arith.addf %add3A_159, %mul3A_157 : vector<16xf32>
    %mul3A_161 = arith.mulf %mul3A_130, %add3A_160 : vector<16xf32>
    %add3A_162 = arith.constant 0.0416666679 : f32
    %add3A_163 = vector.broadcast %add3A_162 : f32 to vector<16xf32>
    %add3A_164 = arith.addf %add3A_163, %mul3A_161 : vector<16xf32>
    %mul3A_165 = arith.mulf %mul3A_154, %add3A_164 : vector<16xf32>
    %add3A_166 = arith.addf %sub3A_153, %mul3A_165 : vector<16xf32>
    %and3A_167 = arith.constant 3 : i32
    %and3A_168 = vector.broadcast %and3A_167 : i32 to vector<16xi32>
    %and3A_169 = arith.andi %convert_element_type3A_116, %and3A_168 : vector<16xi32>
    %eq3A_170 = arith.constant 0 : i32
    %eq3A_171 = vector.broadcast %eq3A_170 : i32 to vector<16xi32>
    %eq3A_172 = arith.cmpi eq, %and3A_169, %eq3A_171 : vector<16xi32>
    %eq3A_173 = arith.constant 1 : i32
    %eq3A_174 = vector.broadcast %eq3A_173 : i32 to vector<16xi32>
    %eq3A_175 = arith.cmpi eq, %and3A_169, %eq3A_174 : vector<16xi32>
    %eq3A_176 = arith.constant 2 : i32
    %eq3A_177 = vector.broadcast %eq3A_176 : i32 to vector<16xi32>
    %eq3A_178 = arith.cmpi eq, %and3A_169, %eq3A_177 : vector<16xi32>
    %neg3A_179 = arith.constant 0.000000e+00 : f32
    %neg3A_180 = vector.broadcast %neg3A_179 : f32 to vector<16xf32>
    %neg3A_181 = arith.subf %neg3A_180, %add3A_147 : vector<16xf32>
    %neg3A_182 = arith.constant 0.000000e+00 : f32
    %neg3A_183 = vector.broadcast %neg3A_182 : f32 to vector<16xf32>
    %neg3A_184 = arith.subf %neg3A_183, %add3A_166 : vector<16xf32>
    %select_n3A_185 = arith.select %eq3A_178, %neg3A_184, %add3A_147 : vector<16xi1>, vector<16xf32>
    %select_n3A_186 = arith.select %eq3A_175, %neg3A_181, %select_n3A_185 : vector<16xi1>, vector<16xf32>
    %select_n3A_187 = arith.select %eq3A_172, %add3A_166, %select_n3A_186 : vector<16xi1>, vector<16xf32>
    %neg3A_188 = arith.constant 0.000000e+00 : f32
    %neg3A_189 = vector.broadcast %neg3A_188 : f32 to vector<16xf32>
    %neg3A_190 = arith.subf %neg3A_189, %add3A_147 : vector<16xf32>
    %neg3A_191 = arith.constant 0.000000e+00 : f32
    %neg3A_192 = vector.broadcast %neg3A_191 : f32 to vector<16xf32>
    %neg3A_193 = arith.subf %neg3A_192, %add3A_166 : vector<16xf32>
    %select_n3A_194 = arith.select %eq3A_178, %neg3A_190, %neg3A_193 : vector<16xi1>, vector<16xf32>
    %select_n3A_195 = arith.select %eq3A_175, %add3A_166, %select_n3A_194 : vector<16xi1>, vector<16xf32>
    %select_n3A_196 = arith.select %eq3A_172, %add3A_147, %select_n3A_195 : vector<16xi1>, vector<16xf32>
    %swap3A_197 = arith.constant 16 : index
    %swap3A_198 = tpu.vector_load %arg7[%swap3A_197] {strides = array<i32>} : memref<64xf32, #tpu.memory_space<vmem>>, vector<16xf32>,
    tpu.vector_store %arg7[%swap3A_197], %select_n3A_187 {strides = array<i32>} : memref<64xf32, #tpu.memory_space<vmem>>, vector<16xf32>,
    %swap3A_199 = arith.constant 16 : index
    %swap3A_200 = tpu.vector_load %arg8[%swap3A_199] {strides = array<i32>} : memref<64xf32, #tpu.memory_space<vmem>>, vector<16xf32>,
    tpu.vector_store %arg8[%swap3A_199], %select_n3A_196 {strides = array<i32>} : memref<64xf32, #tpu.memory_space<vmem>>, vector<16xf32>,
    %get3A_201 = arith.constant 32 : index
    %get3A_202 = tpu.vector_load %arg6[%get3A_201] {strides = array<i32>} : memref<64xf32, #tpu.memory_space<vmem>>, vector<16xf32>,
    %mul3A_203 = arith.constant 0.636619746 : f32
    %mul3A_204 = vector.broadcast %mul3A_203 : f32 to vector<16xf32>
    %mul3A_205 = arith.mulf %get3A_202, %mul3A_204 : vector<16xf32>
    %ge3A_206 = arith.constant 0.000000e+00 : f32
    %ge3A_207 = vector.broadcast %ge3A_206 : f32 to vector<16xf32>
    %ge3A_208 = arith.cmpf oge, %mul3A_205, %ge3A_207 : vector<16xf32>
    %jit3A_209 = arith.constant 5.000000e-01 : f32
    %jit3A_210 = arith.constant -5.000000e-01 : f32
    %broadcast_in_dim3A_211 = vector.broadcast %jit3A_209 : f32 to vector<16xf32>
    %broadcast_in_dim3A_212 = vector.broadcast %jit3A_210 : f32 to vector<16xf32>
    %select_n3A_213 = arith.select %ge3A_208, %broadcast_in_dim3A_211, %broadcast_in_dim3A_212 : vector<16xi1>, vector<16xf32>
    %add3A_214 = arith.addf %mul3A_205, %select_n3A_213 : vector<16xf32>
    %convert_element_type3A_215 = arith.fptosi %add3A_214 : vector<16xf32> to vector<16xi32>
    %convert_element_type3A_216 = arith.sitofp %convert_element_type3A_215 : vector<16xi32> to vector<16xf32>
    %mul3A_217 = arith.constant 1.57078552 : f32
    %mul3A_218 = vector.broadcast %mul3A_217 : f32 to vector<16xf32>
    %mul3A_219 = arith.mulf %convert_element_type3A_216, %mul3A_218 : vector<16xf32>
    %sub3A_220 = arith.subf %get3A_202, %mul3A_219 : vector<16xf32>
    %mul3A_221 = arith.constant 1.08043341E-5 : f32
    %mul3A_222 = vector.broadcast %mul3A_221 : f32 to vector<16xf32>
    %mul3A_223 = arith.mulf %convert_element_type3A_216, %mul3A_222 : vector<16xf32>
    %sub3A_224 = arith.subf %sub3A_220, %mul3A_223 : vector<16xf32>
    %mul3A_225 = arith.constant 6.077100e-11 : f32
    %mul3A_226 = vector.broadcast %mul3A_225 : f32 to vector<16xf32>
    %mul3A_227 = arith.mulf %convert_element_type3A_216, %mul3A_226 : vector<16xf32>
    %sub3A_228 = arith.subf %sub3A_224, %mul3A_227 : vector<16xf32>
    %mul3A_229 = arith.mulf %sub3A_228, %sub3A_228 : vector<16xf32>
    %mul3A_230 = arith.mulf %sub3A_228, %mul3A_229 : vector<16xf32>
    %mul3A_231 = arith.constant 2.75573143E-6 : f32
    %mul3A_232 = vector.broadcast %mul3A_231 : f32 to vector<16xf32>
    %mul3A_233 = arith.mulf %mul3A_229, %mul3A_232 : vector<16xf32>
    %add3A_234 = arith.constant -1.98412701E-4 : f32
    %add3A_235 = vector.broadcast %add3A_234 : f32 to vector<16xf32>
    %add3A_236 = arith.addf %add3A_235, %mul3A_233 : vector<16xf32>
    %mul3A_237 = arith.mulf %mul3A_229, %add3A_236 : vector<16xf32>
    %add3A_238 = arith.constant 0.00833333377 : f32
    %add3A_239 = vector.broadcast %add3A_238 : f32 to vector<16xf32>
    %add3A_240 = arith.addf %add3A_239, %mul3A_237 : vector<16xf32>
    %mul3A_241 = arith.mulf %mul3A_229, %add3A_240 : vector<16xf32>
    %add3A_242 = arith.constant -0.166666672 : f32
    %add3A_243 = vector.broadcast %add3A_242 : f32 to vector<16xf32>
    %add3A_244 = arith.addf %add3A_243, %mul3A_241 : vector<16xf32>
    %mul3A_245 = arith.mulf %mul3A_230, %add3A_244 : vector<16xf32>
    %add3A_246 = arith.addf %sub3A_228, %mul3A_245 : vector<16xf32>
    %mul3A_247 = arith.constant 5.000000e-01 : f32
    %mul3A_248 = vector.broadcast %mul3A_247 : f32 to vector<16xf32>
    %mul3A_249 = arith.mulf %mul3A_248, %mul3A_229 : vector<16xf32>
    %sub3A_250 = arith.constant 1.000000e+00 : f32
    %sub3A_251 = vector.broadcast %sub3A_250 : f32 to vector<16xf32>
    %sub3A_252 = arith.subf %sub3A_251, %mul3A_249 : vector<16xf32>
    %mul3A_253 = arith.mulf %mul3A_229, %mul3A_229 : vector<16xf32>
    %mul3A_254 = arith.constant 2.48015876E-5 : f32
    %mul3A_255 = vector.broadcast %mul3A_254 : f32 to vector<16xf32>
    %mul3A_256 = arith.mulf %mul3A_229, %mul3A_255 : vector<16xf32>
    %add3A_257 = arith.constant -0.00138888892 : f32
    %add3A_258 = vector.broadcast %add3A_257 : f32 to vector<16xf32>
    %add3A_259 = arith.addf %add3A_258, %mul3A_256 : vector<16xf32>
    %mul3A_260 = arith.mulf %mul3A_229, %add3A_259 : vector<16xf32>
    %add3A_261 = arith.constant 0.0416666679 : f32
    %add3A_262 = vector.broadcast %add3A_261 : f32 to vector<16xf32>
    %add3A_263 = arith.addf %add3A_262, %mul3A_260 : vector<16xf32>
    %mul3A_264 = arith.mulf %mul3A_253, %add3A_263 : vector<16xf32>
    %add3A_265 = arith.addf %sub3A_252, %mul3A_264 : vector<16xf32>
    %and3A_266 = arith.constant 3 : i32
    %and3A_267 = vector.broadcast %and3A_266 : i32 to vector<16xi32>
    %and3A_268 = arith.andi %convert_element_type3A_215, %and3A_267 : vector<16xi32>
    %eq3A_269 = arith.constant 0 : i32
    %eq3A_270 = vector.broadcast %eq3A_269 : i32 to vector<16xi32>
    %eq3A_271 = arith.cmpi eq, %and3A_268, %eq3A_270 : vector<16xi32>
    %eq3A_272 = arith.constant 1 : i32
    %eq3A_273 = vector.broadcast %eq3A_272 : i32 to vector<16xi32>
    %eq3A_274 = arith.cmpi eq, %and3A_268, %eq3A_273 : vector<16xi32>
    %eq3A_275 = arith.constant 2 : i32
    %eq3A_276 = vector.broadcast %eq3A_275 : i32 to vector<16xi32>
    %eq3A_277 = arith.cmpi eq, %and3A_268, %eq3A_276 : vector<16xi32>
    %neg3A_278 = arith.constant 0.000000e+00 : f32
    %neg3A_279 = vector.broadcast %neg3A_278 : f32 to vector<16xf32>
    %neg3A_280 = arith.subf %neg3A_279, %add3A_246 : vector<16xf32>
    %neg3A_281 = arith.constant 0.000000e+00 : f32
    %neg3A_282 = vector.broadcast %neg3A_281 : f32 to vector<16xf32>
    %neg3A_283 = arith.subf %neg3A_282, %add3A_265 : vector<16xf32>
    %select_n3A_284 = arith.select %eq3A_277, %neg3A_283, %add3A_246 : vector<16xi1>, vector<16xf32>
    %select_n3A_285 = arith.select %eq3A_274, %neg3A_280, %select_n3A_284 : vector<16xi1>, vector<16xf32>
    %select_n3A_286 = arith.select %eq3A_271, %add3A_265, %select_n3A_285 : vector<16xi1>, vector<16xf32>
    %neg3A_287 = arith.constant 0.000000e+00 : f32
    %neg3A_288 = vector.broadcast %neg3A_287 : f32 to vector<16xf32>
    %neg3A_289 = arith.subf %neg3A_288, %add3A_246 : vector<16xf32>
    %neg3A_290 = arith.constant 0.000000e+00 : f32
    %neg3A_291 = vector.broadcast %neg3A_290 : f32 to vector<16xf32>
    %neg3A_292 = arith.subf %neg3A_291, %add3A_265 : vector<16xf32>
    %select_n3A_293 = arith.select %eq3A_277, %neg3A_289, %neg3A_292 : vector<16xi1>, vector<16xf32>
    %select_n3A_294 = arith.select %eq3A_274, %add3A_265, %select_n3A_293 : vector<16xi1>, vector<16xf32>
    %select_n3A_295 = arith.select %eq3A_271, %add3A_246, %select_n3A_294 : vector<16xi1>, vector<16xf32>
    %swap3A_296 = arith.constant 32 : index
    %swap3A_297 = tpu.vector_load %arg7[%swap3A_296] {strides = array<i32>} : memref<64xf32, #tpu.memory_space<vmem>>, vector<16xf32>,
    tpu.vector_store %arg7[%swap3A_296], %select_n3A_286 {strides = array<i32>} : memref<64xf32, #tpu.memory_space<vmem>>, vector<16xf32>,
    %swap3A_298 = arith.constant 32 : index
    %swap3A_299 = tpu.vector_load %arg8[%swap3A_298] {strides = array<i32>} : memref<64xf32, #tpu.memory_space<vmem>>, vector<16xf32>,
    tpu.vector_store %arg8[%swap3A_298], %select_n3A_295 {strides = array<i32>} : memref<64xf32, #tpu.memory_space<vmem>>, vector<16xf32>,
    %get3A_300 = arith.constant 48 : index
    %get3A_301 = tpu.vector_load %arg6[%get3A_300] {strides = array<i32>} : memref<64xf32, #tpu.memory_space<vmem>>, vector<16xf32>,
    %mul3A_302 = arith.constant 0.636619746 : f32
    %mul3A_303 = vector.broadcast %mul3A_302 : f32 to vector<16xf32>
    %mul3A_304 = arith.mulf %get3A_301, %mul3A_303 : vector<16xf32>
    %ge3A_305 = arith.constant 0.000000e+00 : f32
    %ge3A_306 = vector.broadcast %ge3A_305 : f32 to vector<16xf32>
    %ge3A_307 = arith.cmpf oge, %mul3A_304, %ge3A_306 : vector<16xf32>
    %jit3A_308 = arith.constant 5.000000e-01 : f32
    %jit3A_309 = arith.constant -5.000000e-01 : f32
    %broadcast_in_dim3A_310 = vector.broadcast %jit3A_308 : f32 to vector<16xf32>
    %broadcast_in_dim3A_311 = vector.broadcast %jit3A_309 : f32 to vector<16xf32>
    %select_n3A_312 = arith.select %ge3A_307, %broadcast_in_dim3A_310, %broadcast_in_dim3A_311 : vector<16xi1>, vector<16xf32>
    %add3A_313 = arith.addf %mul3A_304, %select_n3A_312 : vector<16xf32>
    %convert_element_type3A_314 = arith.fptosi %add3A_313 : vector<16xf32> to vector<16xi32>
    %convert_element_type3A_315 = arith.sitofp %convert_element_type3A_314 : vector<16xi32> to vector<16xf32>
    %mul3A_316 = arith.constant 1.57078552 : f32
    %mul3A_317 = vector.broadcast %mul3A_316 : f32 to vector<16xf32>
    %mul3A_318 = arith.mulf %convert_element_type3A_315, %mul3A_317 : vector<16xf32>
    %sub3A_319 = arith.subf %get3A_301, %mul3A_318 : vector<16xf32>
    %mul3A_320 = arith.constant 1.08043341E-5 : f32
    %mul3A_321 = vector.broadcast %mul3A_320 : f32 to vector<16xf32>
    %mul3A_322 = arith.mulf %convert_element_type3A_315, %mul3A_321 : vector<16xf32>
    %sub3A_323 = arith.subf %sub3A_319, %mul3A_322 : vector<16xf32>
    %mul3A_324 = arith.constant 6.077100e-11 : f32
    %mul3A_325 = vector.broadcast %mul3A_324 : f32 to vector<16xf32>
    %mul3A_326 = arith.mulf %convert_element_type3A_315, %mul3A_325 : vector<16xf32>
    %sub3A_327 = arith.subf %sub3A_323, %mul3A_326 : vector<16xf32>
    %mul3A_328 = arith.mulf %sub3A_327, %sub3A_327 : vector<16xf32>
    %mul3A_329 = arith.mulf %sub3A_327, %mul3A_328 : vector<16xf32>
    %mul3A_330 = arith.constant 2.75573143E-6 : f32
    %mul3A_331 = vector.broadcast %mul3A_330 : f32 to vector<16xf32>
    %mul3A_332 = arith.mulf %mul3A_328, %mul3A_331 : vector<16xf32>
    %add3A_333 = arith.constant -1.98412701E-4 : f32
    %add3A_334 = vector.broadcast %add3A_333 : f32 to vector<16xf32>
    %add3A_335 = arith.addf %add3A_334, %mul3A_332 : vector<16xf32>
    %mul3A_336 = arith.mulf %mul3A_328, %add3A_335 : vector<16xf32>
    %add3A_337 = arith.constant 0.00833333377 : f32
    %add3A_338 = vector.broadcast %add3A_337 : f32 to vector<16xf32>
    %add3A_339 = arith.addf %add3A_338, %mul3A_336 : vector<16xf32>
    %mul3A_340 = arith.mulf %mul3A_328, %add3A_339 : vector<16xf32>
    %add3A_341 = arith.constant -0.166666672 : f32
    %add3A_342 = vector.broadcast %add3A_341 : f32 to vector<16xf32>
    %add3A_343 = arith.addf %add3A_342, %mul3A_340 : vector<16xf32>
    %mul3A_344 = arith.mulf %mul3A_329, %add3A_343 : vector<16xf32>
    %add3A_345 = arith.addf %sub3A_327, %mul3A_344 : vector<16xf32>
    %mul3A_346 = arith.constant 5.000000e-01 : f32
    %mul3A_347 = vector.broadcast %mul3A_346 : f32 to vector<16xf32>
    %mul3A_348 = arith.mulf %mul3A_347, %mul3A_328 : vector<16xf32>
    %sub3A_349 = arith.constant 1.000000e+00 : f32
    %sub3A_350 = vector.broadcast %sub3A_349 : f32 to vector<16xf32>
    %sub3A_351 = arith.subf %sub3A_350, %mul3A_348 : vector<16xf32>
    %mul3A_352 = arith.mulf %mul3A_328, %mul3A_328 : vector<16xf32>
    %mul3A_353 = arith.constant 2.48015876E-5 : f32
    %mul3A_354 = vector.broadcast %mul3A_353 : f32 to vector<16xf32>
    %mul3A_355 = arith.mulf %mul3A_328, %mul3A_354 : vector<16xf32>
    %add3A_356 = arith.constant -0.00138888892 : f32
    %add3A_357 = vector.broadcast %add3A_356 : f32 to vector<16xf32>
    %add3A_358 = arith.addf %add3A_357, %mul3A_355 : vector<16xf32>
    %mul3A_359 = arith.mulf %mul3A_328, %add3A_358 : vector<16xf32>
    %add3A_360 = arith.constant 0.0416666679 : f32
    %add3A_361 = vector.broadcast %add3A_360 : f32 to vector<16xf32>
    %add3A_362 = arith.addf %add3A_361, %mul3A_359 : vector<16xf32>
    %mul3A_363 = arith.mulf %mul3A_352, %add3A_362 : vector<16xf32>
    %add3A_364 = arith.addf %sub3A_351, %mul3A_363 : vector<16xf32>
    %and3A_365 = arith.constant 3 : i32
    %and3A_366 = vector.broadcast %and3A_365 : i32 to vector<16xi32>
    %and3A_367 = arith.andi %convert_element_type3A_314, %and3A_366 : vector<16xi32>
    %eq3A_368 = arith.constant 0 : i32
    %eq3A_369 = vector.broadcast %eq3A_368 : i32 to vector<16xi32>
    %eq3A_370 = arith.cmpi eq, %and3A_367, %eq3A_369 : vector<16xi32>
    %eq3A_371 = arith.constant 1 : i32
    %eq3A_372 = vector.broadcast %eq3A_371 : i32 to vector<16xi32>
    %eq3A_373 = arith.cmpi eq, %and3A_367, %eq3A_372 : vector<16xi32>
    %eq3A_374 = arith.constant 2 : i32
    %eq3A_375 = vector.broadcast %eq3A_374 : i32 to vector<16xi32>
    %eq3A_376 = arith.cmpi eq, %and3A_367, %eq3A_375 : vector<16xi32>
    %neg3A_377 = arith.constant 0.000000e+00 : f32
    %neg3A_378 = vector.broadcast %neg3A_377 : f32 to vector<16xf32>
    %neg3A_379 = arith.subf %neg3A_378, %add3A_345 : vector<16xf32>
    %neg3A_380 = arith.constant 0.000000e+00 : f32
    %neg3A_381 = vector.broadcast %neg3A_380 : f32 to vector<16xf32>
    %neg3A_382 = arith.subf %neg3A_381, %add3A_364 : vector<16xf32>
    %select_n3A_383 = arith.select %eq3A_376, %neg3A_382, %add3A_345 : vector<16xi1>, vector<16xf32>
    %select_n3A_384 = arith.select %eq3A_373, %neg3A_379, %select_n3A_383 : vector<16xi1>, vector<16xf32>
    %select_n3A_385 = arith.select %eq3A_370, %add3A_364, %select_n3A_384 : vector<16xi1>, vector<16xf32>
    %neg3A_386 = arith.constant 0.000000e+00 : f32
    %neg3A_387 = vector.broadcast %neg3A_386 : f32 to vector<16xf32>
    %neg3A_388 = arith.subf %neg3A_387, %add3A_345 : vector<16xf32>
    %neg3A_389 = arith.constant 0.000000e+00 : f32
    %neg3A_390 = vector.broadcast %neg3A_389 : f32 to vector<16xf32>
    %neg3A_391 = arith.subf %neg3A_390, %add3A_364 : vector<16xf32>
    %select_n3A_392 = arith.select %eq3A_376, %neg3A_388, %neg3A_391 : vector<16xi1>, vector<16xf32>
    %select_n3A_393 = arith.select %eq3A_373, %add3A_364, %select_n3A_392 : vector<16xi1>, vector<16xf32>
    %select_n3A_394 = arith.select %eq3A_370, %add3A_345, %select_n3A_393 : vector<16xi1>, vector<16xf32>
    %swap3A_395 = arith.constant 48 : index
    %swap3A_396 = tpu.vector_load %arg7[%swap3A_395] {strides = array<i32>} : memref<64xf32, #tpu.memory_space<vmem>>, vector<16xf32>,
    tpu.vector_store %arg7[%swap3A_395], %select_n3A_385 {strides = array<i32>} : memref<64xf32, #tpu.memory_space<vmem>>, vector<16xf32>,
    %swap3A_397 = arith.constant 48 : index
    %swap3A_398 = tpu.vector_load %arg8[%swap3A_397] {strides = array<i32>} : memref<64xf32, #tpu.memory_space<vmem>>, vector<16xf32>,
    tpu.vector_store %arg8[%swap3A_397], %select_n3A_394 {strides = array<i32>} : memref<64xf32, #tpu.memory_space<vmem>>, vector<16xf32>,
    %iota3A = tpu.iota {dimensions = array<i32: 0>} : vector<16xi32>
    %and3A_399 = arith.constant 7 : i32
    %and3A_400 = vector.broadcast %and3A_399 : i32 to vector<16xi32>
    %and3A_401 = arith.andi %iota3A, %and3A_400 : vector<16xi32>
    %lt3A = arith.constant 8 : i32
    %lt3A_402 = vector.broadcast %lt3A : i32 to vector<16xi32>
    %lt3A_403 = arith.cmpi slt, %iota3A, %lt3A_402 : vector<16xi32>
    %add3A_404 = arith.constant 0 : i32
    %add3A_405 = vector.broadcast %add3A_404 : i32 to vector<16xi32>
    %add3A_406 = arith.addi %add3A_405, %and3A_401 : vector<16xi32>
    %gather3A = tpu.vector_load_idx %arg7[%add3A_406] : memref<64xf32, #tpu.memory_space<vmem>>[vector<16xi32>], vector<16xf32>,
    %gather3A_407 = tpu.vector_load_idx %arg8[%add3A_406] : memref<64xf32, #tpu.memory_space<vmem>>[vector<16xi32>], vector<16xf32>,
    %neg3A_408 = arith.constant 0.000000e+00 : f32
    %neg3A_409 = vector.broadcast %neg3A_408 : f32 to vector<16xf32>
    %neg3A_410 = arith.subf %neg3A_409, %gather3A_407 : vector<16xf32>
    %select_n3A_411 = arith.select %lt3A_403, %gather3A, %neg3A_410 : vector<16xi1>, vector<16xf32>
    %add3A_412 = arith.constant 0 : i32
    %add3A_413 = vector.broadcast %add3A_412 : i32 to vector<16xi32>
    %add3A_414 = arith.addi %add3A_413, %and3A_401 : vector<16xi32>
    %add3A_415 = arith.constant 0 : i32
    %add3A_416 = vector.broadcast %add3A_415 : i32 to vector<16xi32>
    %add3A_417 = arith.addi %add3A_416, %and3A_401 : vector<16xi32>
    %jit3A_418 = arith.constant 0 : i32
    %jit3A_419 = arith.constant 32 : i32
    %broadcast_in_dim3A_420 = vector.broadcast %jit3A_418 : i32 to vector<16xi32>
    %broadcast_in_dim3A_421 = vector.broadcast %jit3A_419 : i32 to vector<16xi32>
    %select_n3A_422 = arith.select %lt3A_403, %broadcast_in_dim3A_420, %broadcast_in_dim3A_421 : vector<16xi1>, vector<16xi32>
    %add3A_423 = arith.addi %add3A_417, %select_n3A_422 : vector<16xi32>
    tpu.vector_store_idx %arg5[%add3A_414, %add3A_423], %select_n3A_411 : memref<128x128xf32, #tpu.memory_space<vmem>>[vector<16xi32>, vector<16xi32>], vector<16xf32>,
    %add3A_424 = arith.constant 8 : i32
    %add3A_425 = vector.broadcast %add3A_424 : i32 to vector<16xi32>
    %add3A_426 = arith.addi %add3A_425, %and3A_401 : vector<16xi32>
    %gather3A_427 = tpu.vector_load_idx %arg7[%add3A_426] : memref<64xf32, #tpu.memory_space<vmem>>[vector<16xi32>], vector<16xf32>,
    %gather3A_428 = tpu.vector_load_idx %arg8[%add3A_426] : memref<64xf32, #tpu.memory_space<vmem>>[vector<16xi32>], vector<16xf32>,
    %neg3A_429 = arith.constant 0.000000e+00 : f32
    %neg3A_430 = vector.broadcast %neg3A_429 : f32 to vector<16xf32>
    %neg3A_431 = arith.subf %neg3A_430, %gather3A_428 : vector<16xf32>
    %select_n3A_432 = arith.select %lt3A_403, %gather3A_427, %neg3A_431 : vector<16xi1>, vector<16xf32>
    %add3A_433 = arith.constant 8 : i32
    %add3A_434 = vector.broadcast %add3A_433 : i32 to vector<16xi32>
    %add3A_435 = arith.addi %add3A_434, %and3A_401 : vector<16xi32>
    %add3A_436 = arith.constant 8 : i32
    %add3A_437 = vector.broadcast %add3A_436 : i32 to vector<16xi32>
    %add3A_438 = arith.addi %add3A_437, %and3A_401 : vector<16xi32>
    %jit3A_439 = arith.constant 0 : i32
    %jit3A_440 = arith.constant 32 : i32
    %broadcast_in_dim3A_441 = vector.broadcast %jit3A_439 : i32 to vector<16xi32>
    %broadcast_in_dim3A_442 = vector.broadcast %jit3A_440 : i32 to vector<16xi32>
    %select_n3A_443 = arith.select %lt3A_403, %broadcast_in_dim3A_441, %broadcast_in_dim3A_442 : vector<16xi1>, vector<16xi32>
    %add3A_444 = arith.addi %add3A_438, %select_n3A_443 : vector<16xi32>
    tpu.vector_store_idx %arg5[%add3A_435, %add3A_444], %select_n3A_432 : memref<128x128xf32, #tpu.memory_space<vmem>>[vector<16xi32>, vector<16xi32>], vector<16xf32>,
    %add3A_445 = arith.constant 16 : i32
    %add3A_446 = vector.broadcast %add3A_445 : i32 to vector<16xi32>
    %add3A_447 = arith.addi %add3A_446, %and3A_401 : vector<16xi32>
    %gather3A_448 = tpu.vector_load_idx %arg7[%add3A_447] : memref<64xf32, #tpu.memory_space<vmem>>[vector<16xi32>], vector<16xf32>,
    %gather3A_449 = tpu.vector_load_idx %arg8[%add3A_447] : memref<64xf32, #tpu.memory_space<vmem>>[vector<16xi32>], vector<16xf32>,
    %neg3A_450 = arith.constant 0.000000e+00 : f32
    %neg3A_451 = vector.broadcast %neg3A_450 : f32 to vector<16xf32>
    %neg3A_452 = arith.subf %neg3A_451, %gather3A_449 : vector<16xf32>
    %select_n3A_453 = arith.select %lt3A_403, %gather3A_448, %neg3A_452 : vector<16xi1>, vector<16xf32>
    %add3A_454 = arith.constant 16 : i32
    %add3A_455 = vector.broadcast %add3A_454 : i32 to vector<16xi32>
    %add3A_456 = arith.addi %add3A_455, %and3A_401 : vector<16xi32>
    %add3A_457 = arith.constant 16 : i32
    %add3A_458 = vector.broadcast %add3A_457 : i32 to vector<16xi32>
    %add3A_459 = arith.addi %add3A_458, %and3A_401 : vector<16xi32>
    %jit3A_460 = arith.constant 0 : i32
    %jit3A_461 = arith.constant 32 : i32
    %broadcast_in_dim3A_462 = vector.broadcast %jit3A_460 : i32 to vector<16xi32>
    %broadcast_in_dim3A_463 = vector.broadcast %jit3A_461 : i32 to vector<16xi32>
    %select_n3A_464 = arith.select %lt3A_403, %broadcast_in_dim3A_462, %broadcast_in_dim3A_463 : vector<16xi1>, vector<16xi32>
    %add3A_465 = arith.addi %add3A_459, %select_n3A_464 : vector<16xi32>
    tpu.vector_store_idx %arg5[%add3A_456, %add3A_465], %select_n3A_453 : memref<128x128xf32, #tpu.memory_space<vmem>>[vector<16xi32>, vector<16xi32>], vector<16xf32>,
    %add3A_466 = arith.constant 24 : i32
    %add3A_467 = vector.broadcast %add3A_466 : i32 to vector<16xi32>
    %add3A_468 = arith.addi %add3A_467, %and3A_401 : vector<16xi32>
    %gather3A_469 = tpu.vector_load_idx %arg7[%add3A_468] : memref<64xf32, #tpu.memory_space<vmem>>[vector<16xi32>], vector<16xf32>,
    %gather3A_470 = tpu.vector_load_idx %arg8[%add3A_468] : memref<64xf32, #tpu.memory_space<vmem>>[vector<16xi32>], vector<16xf32>,
    %neg3A_471 = arith.constant 0.000000e+00 : f32
    %neg3A_472 = vector.broadcast %neg3A_471 : f32 to vector<16xf32>
    %neg3A_473 = arith.subf %neg3A_472, %gather3A_470 : vector<16xf32>
    %select_n3A_474 = arith.select %lt3A_403, %gather3A_469, %neg3A_473 : vector<16xi1>, vector<16xf32>
    %add3A_475 = arith.constant 24 : i32
    %add3A_476 = vector.broadcast %add3A_475 : i32 to vector<16xi32>
    %add3A_477 = arith.addi %add3A_476, %and3A_401 : vector<16xi32>
    %add3A_478 = arith.constant 24 : i32
    %add3A_479 = vector.broadcast %add3A_478 : i32 to vector<16xi32>
    %add3A_480 = arith.addi %add3A_479, %and3A_401 : vector<16xi32>
    %jit3A_481 = arith.constant 0 : i32
    %jit3A_482 = arith.constant 32 : i32
    %broadcast_in_dim3A_483 = vector.broadcast %jit3A_481 : i32 to vector<16xi32>
    %broadcast_in_dim3A_484 = vector.broadcast %jit3A_482 : i32 to vector<16xi32>
    %select_n3A_485 = arith.select %lt3A_403, %broadcast_in_dim3A_483, %broadcast_in_dim3A_484 : vector<16xi1>, vector<16xi32>
    %add3A_486 = arith.addi %add3A_480, %select_n3A_485 : vector<16xi32>
    tpu.vector_store_idx %arg5[%add3A_477, %add3A_486], %select_n3A_474 : memref<128x128xf32, #tpu.memory_space<vmem>>[vector<16xi32>, vector<16xi32>], vector<16xf32>,
    %add3A_487 = arith.constant 0 : i32
    %add3A_488 = vector.broadcast %add3A_487 : i32 to vector<16xi32>
    %add3A_489 = arith.addi %add3A_488, %and3A_401 : vector<16xi32>
    %gather3A_490 = tpu.vector_load_idx %arg7[%add3A_489] : memref<64xf32, #tpu.memory_space<vmem>>[vector<16xi32>], vector<16xf32>,
    %gather3A_491 = tpu.vector_load_idx %arg8[%add3A_489] : memref<64xf32, #tpu.memory_space<vmem>>[vector<16xi32>], vector<16xf32>,
    %select_n3A_492 = arith.select %lt3A_403, %gather3A_490, %gather3A_491 : vector<16xi1>, vector<16xf32>
    %add3A_493 = arith.constant 32 : i32
    %add3A_494 = vector.broadcast %add3A_493 : i32 to vector<16xi32>
    %add3A_495 = arith.addi %add3A_494, %and3A_401 : vector<16xi32>
    %add3A_496 = arith.constant 32 : i32
    %add3A_497 = vector.broadcast %add3A_496 : i32 to vector<16xi32>
    %add3A_498 = arith.addi %add3A_497, %and3A_401 : vector<16xi32>
    %jit3A_499 = arith.constant 0 : i32
    %jit3A_500 = arith.constant -32 : i32
    %broadcast_in_dim3A_501 = vector.broadcast %jit3A_499 : i32 to vector<16xi32>
    %broadcast_in_dim3A_502 = vector.broadcast %jit3A_500 : i32 to vector<16xi32>
    %select_n3A_503 = arith.select %lt3A_403, %broadcast_in_dim3A_501, %broadcast_in_dim3A_502 : vector<16xi1>, vector<16xi32>
    %add3A_504 = arith.addi %add3A_498, %select_n3A_503 : vector<16xi32>
    tpu.vector_store_idx %arg5[%add3A_495, %add3A_504], %select_n3A_492 : memref<128x128xf32, #tpu.memory_space<vmem>>[vector<16xi32>, vector<16xi32>], vector<16xf32>,
    %add3A_505 = arith.constant 8 : i32
    %add3A_506 = vector.broadcast %add3A_505 : i32 to vector<16xi32>
    %add3A_507 = arith.addi %add3A_506, %and3A_401 : vector<16xi32>
    %gather3A_508 = tpu.vector_load_idx %arg7[%add3A_507] : memref<64xf32, #tpu.memory_space<vmem>>[vector<16xi32>], vector<16xf32>,
    %gather3A_509 = tpu.vector_load_idx %arg8[%add3A_507] : memref<64xf32, #tpu.memory_space<vmem>>[vector<16xi32>], vector<16xf32>,
    %select_n3A_510 = arith.select %lt3A_403, %gather3A_508, %gather3A_509 : vector<16xi1>, vector<16xf32>
    %add3A_511 = arith.constant 40 : i32
    %add3A_512 = vector.broadcast %add3A_511 : i32 to vector<16xi32>
    %add3A_513 = arith.addi %add3A_512, %and3A_401 : vector<16xi32>
    %add3A_514 = arith.constant 40 : i32
    %add3A_515 = vector.broadcast %add3A_514 : i32 to vector<16xi32>
    %add3A_516 = arith.addi %add3A_515, %and3A_401 : vector<16xi32>
    %jit3A_517 = arith.constant 0 : i32
    %jit3A_518 = arith.constant -32 : i32
    %broadcast_in_dim3A_519 = vector.broadcast %jit3A_517 : i32 to vector<16xi32>
    %broadcast_in_dim3A_520 = vector.broadcast %jit3A_518 : i32 to vector<16xi32>
    %select_n3A_521 = arith.select %lt3A_403, %broadcast_in_dim3A_519, %broadcast_in_dim3A_520 : vector<16xi1>, vector<16xi32>
    %add3A_522 = arith.addi %add3A_516, %select_n3A_521 : vector<16xi32>
    tpu.vector_store_idx %arg5[%add3A_513, %add3A_522], %select_n3A_510 : memref<128x128xf32, #tpu.memory_space<vmem>>[vector<16xi32>, vector<16xi32>], vector<16xf32>,
    %add3A_523 = arith.constant 16 : i32
    %add3A_524 = vector.broadcast %add3A_523 : i32 to vector<16xi32>
    %add3A_525 = arith.addi %add3A_524, %and3A_401 : vector<16xi32>
    %gather3A_526 = tpu.vector_load_idx %arg7[%add3A_525] : memref<64xf32, #tpu.memory_space<vmem>>[vector<16xi32>], vector<16xf32>,
    %gather3A_527 = tpu.vector_load_idx %arg8[%add3A_525] : memref<64xf32, #tpu.memory_space<vmem>>[vector<16xi32>], vector<16xf32>,
    %select_n3A_528 = arith.select %lt3A_403, %gather3A_526, %gather3A_527 : vector<16xi1>, vector<16xf32>
    %add3A_529 = arith.constant 48 : i32
    %add3A_530 = vector.broadcast %add3A_529 : i32 to vector<16xi32>
    %add3A_531 = arith.addi %add3A_530, %and3A_401 : vector<16xi32>
    %add3A_532 = arith.constant 48 : i32
    %add3A_533 = vector.broadcast %add3A_532 : i32 to vector<16xi32>
    %add3A_534 = arith.addi %add3A_533, %and3A_401 : vector<16xi32>
    %jit3A_535 = arith.constant 0 : i32
    %jit3A_536 = arith.constant -32 : i32
    %broadcast_in_dim3A_537 = vector.broadcast %jit3A_535 : i32 to vector<16xi32>
    %broadcast_in_dim3A_538 = vector.broadcast %jit3A_536 : i32 to vector<16xi32>
    %select_n3A_539 = arith.select %lt3A_403, %broadcast_in_dim3A_537, %broadcast_in_dim3A_538 : vector<16xi1>, vector<16xi32>
    %add3A_540 = arith.addi %add3A_534, %select_n3A_539 : vector<16xi32>
    tpu.vector_store_idx %arg5[%add3A_531, %add3A_540], %select_n3A_528 : memref<128x128xf32, #tpu.memory_space<vmem>>[vector<16xi32>, vector<16xi32>], vector<16xf32>,
    %add3A_541 = arith.constant 24 : i32
    %add3A_542 = vector.broadcast %add3A_541 : i32 to vector<16xi32>
    %add3A_543 = arith.addi %add3A_542, %and3A_401 : vector<16xi32>
    %gather3A_544 = tpu.vector_load_idx %arg7[%add3A_543] : memref<64xf32, #tpu.memory_space<vmem>>[vector<16xi32>], vector<16xf32>,
    %gather3A_545 = tpu.vector_load_idx %arg8[%add3A_543] : memref<64xf32, #tpu.memory_space<vmem>>[vector<16xi32>], vector<16xf32>,
    %select_n3A_546 = arith.select %lt3A_403, %gather3A_544, %gather3A_545 : vector<16xi1>, vector<16xf32>
    %add3A_547 = arith.constant 56 : i32
    %add3A_548 = vector.broadcast %add3A_547 : i32 to vector<16xi32>
    %add3A_549 = arith.addi %add3A_548, %and3A_401 : vector<16xi32>
    %add3A_550 = arith.constant 56 : i32
    %add3A_551 = vector.broadcast %add3A_550 : i32 to vector<16xi32>
    %add3A_552 = arith.addi %add3A_551, %and3A_401 : vector<16xi32>
    %jit3A_553 = arith.constant 0 : i32
    %jit3A_554 = arith.constant -32 : i32
    %broadcast_in_dim3A_555 = vector.broadcast %jit3A_553 : i32 to vector<16xi32>
    %broadcast_in_dim3A_556 = vector.broadcast %jit3A_554 : i32 to vector<16xi32>
    %select_n3A_557 = arith.select %lt3A_403, %broadcast_in_dim3A_555, %broadcast_in_dim3A_556 : vector<16xi1>, vector<16xi32>
    %add3A_558 = arith.addi %add3A_552, %select_n3A_557 : vector<16xi32>
    tpu.vector_store_idx %arg5[%add3A_549, %add3A_558], %select_n3A_546 : memref<128x128xf32, #tpu.memory_space<vmem>>[vector<16xi32>, vector<16xi32>], vector<16xf32>,
    %add3A_559 = arith.constant 32 : i32
    %add3A_560 = vector.broadcast %add3A_559 : i32 to vector<16xi32>
    %add3A_561 = arith.addi %add3A_560, %and3A_401 : vector<16xi32>
    %gather3A_562 = tpu.vector_load_idx %arg7[%add3A_561] : memref<64xf32, #tpu.memory_space<vmem>>[vector<16xi32>], vector<16xf32>,
    %gather3A_563 = tpu.vector_load_idx %arg8[%add3A_561] : memref<64xf32, #tpu.memory_space<vmem>>[vector<16xi32>], vector<16xf32>,
    %neg3A_564 = arith.constant 0.000000e+00 : f32
    %neg3A_565 = vector.broadcast %neg3A_564 : f32 to vector<16xf32>
    %neg3A_566 = arith.subf %neg3A_565, %gather3A_563 : vector<16xf32>
    %select_n3A_567 = arith.select %lt3A_403, %gather3A_562, %neg3A_566 : vector<16xi1>, vector<16xf32>
    %add3A_568 = arith.constant 64 : i32
    %add3A_569 = vector.broadcast %add3A_568 : i32 to vector<16xi32>
    %add3A_570 = arith.addi %add3A_569, %and3A_401 : vector<16xi32>
    %add3A_571 = arith.constant 64 : i32
    %add3A_572 = vector.broadcast %add3A_571 : i32 to vector<16xi32>
    %add3A_573 = arith.addi %add3A_572, %and3A_401 : vector<16xi32>
    %jit3A_574 = arith.constant 0 : i32
    %jit3A_575 = arith.constant 32 : i32
    %broadcast_in_dim3A_576 = vector.broadcast %jit3A_574 : i32 to vector<16xi32>
    %broadcast_in_dim3A_577 = vector.broadcast %jit3A_575 : i32 to vector<16xi32>
    %select_n3A_578 = arith.select %lt3A_403, %broadcast_in_dim3A_576, %broadcast_in_dim3A_577 : vector<16xi1>, vector<16xi32>
    %add3A_579 = arith.addi %add3A_573, %select_n3A_578 : vector<16xi32>
    tpu.vector_store_idx %arg5[%add3A_570, %add3A_579], %select_n3A_567 : memref<128x128xf32, #tpu.memory_space<vmem>>[vector<16xi32>, vector<16xi32>], vector<16xf32>,
    %add3A_580 = arith.constant 40 : i32
    %add3A_581 = vector.broadcast %add3A_580 : i32 to vector<16xi32>
    %add3A_582 = arith.addi %add3A_581, %and3A_401 : vector<16xi32>
    %gather3A_583 = tpu.vector_load_idx %arg7[%add3A_582] : memref<64xf32, #tpu.memory_space<vmem>>[vector<16xi32>], vector<16xf32>,
    %gather3A_584 = tpu.vector_load_idx %arg8[%add3A_582] : memref<64xf32, #tpu.memory_space<vmem>>[vector<16xi32>], vector<16xf32>,
    %neg3A_585 = arith.constant 0.000000e+00 : f32
    %neg3A_586 = vector.broadcast %neg3A_585 : f32 to vector<16xf32>
    %neg3A_587 = arith.subf %neg3A_586, %gather3A_584 : vector<16xf32>
    %select_n3A_588 = arith.select %lt3A_403, %gather3A_583, %neg3A_587 : vector<16xi1>, vector<16xf32>
    %add3A_589 = arith.constant 72 : i32
    %add3A_590 = vector.broadcast %add3A_589 : i32 to vector<16xi32>
    %add3A_591 = arith.addi %add3A_590, %and3A_401 : vector<16xi32>
    %add3A_592 = arith.constant 72 : i32
    %add3A_593 = vector.broadcast %add3A_592 : i32 to vector<16xi32>
    %add3A_594 = arith.addi %add3A_593, %and3A_401 : vector<16xi32>
    %jit3A_595 = arith.constant 0 : i32
    %jit3A_596 = arith.constant 32 : i32
    %broadcast_in_dim3A_597 = vector.broadcast %jit3A_595 : i32 to vector<16xi32>
    %broadcast_in_dim3A_598 = vector.broadcast %jit3A_596 : i32 to vector<16xi32>
    %select_n3A_599 = arith.select %lt3A_403, %broadcast_in_dim3A_597, %broadcast_in_dim3A_598 : vector<16xi1>, vector<16xi32>
    %add3A_600 = arith.addi %add3A_594, %select_n3A_599 : vector<16xi32>
    tpu.vector_store_idx %arg5[%add3A_591, %add3A_600], %select_n3A_588 : memref<128x128xf32, #tpu.memory_space<vmem>>[vector<16xi32>, vector<16xi32>], vector<16xf32>,
    %add3A_601 = arith.constant 48 : i32
    %add3A_602 = vector.broadcast %add3A_601 : i32 to vector<16xi32>
    %add3A_603 = arith.addi %add3A_602, %and3A_401 : vector<16xi32>
    %gather3A_604 = tpu.vector_load_idx %arg7[%add3A_603] : memref<64xf32, #tpu.memory_space<vmem>>[vector<16xi32>], vector<16xf32>,
    %gather3A_605 = tpu.vector_load_idx %arg8[%add3A_603] : memref<64xf32, #tpu.memory_space<vmem>>[vector<16xi32>], vector<16xf32>,
    %neg3A_606 = arith.constant 0.000000e+00 : f32
    %neg3A_607 = vector.broadcast %neg3A_606 : f32 to vector<16xf32>
    %neg3A_608 = arith.subf %neg3A_607, %gather3A_605 : vector<16xf32>
    %select_n3A_609 = arith.select %lt3A_403, %gather3A_604, %neg3A_608 : vector<16xi1>, vector<16xf32>
    %add3A_610 = arith.constant 80 : i32
    %add3A_611 = vector.broadcast %add3A_610 : i32 to vector<16xi32>
    %add3A_612 = arith.addi %add3A_611, %and3A_401 : vector<16xi32>
    %add3A_613 = arith.constant 80 : i32
    %add3A_614 = vector.broadcast %add3A_613 : i32 to vector<16xi32>
    %add3A_615 = arith.addi %add3A_614, %and3A_401 : vector<16xi32>
    %jit3A_616 = arith.constant 0 : i32
    %jit3A_617 = arith.constant 32 : i32
    %broadcast_in_dim3A_618 = vector.broadcast %jit3A_616 : i32 to vector<16xi32>
    %broadcast_in_dim3A_619 = vector.broadcast %jit3A_617 : i32 to vector<16xi32>
    %select_n3A_620 = arith.select %lt3A_403, %broadcast_in_dim3A_618, %broadcast_in_dim3A_619 : vector<16xi1>, vector<16xi32>
    %add3A_621 = arith.addi %add3A_615, %select_n3A_620 : vector<16xi32>
    tpu.vector_store_idx %arg5[%add3A_612, %add3A_621], %select_n3A_609 : memref<128x128xf32, #tpu.memory_space<vmem>>[vector<16xi32>, vector<16xi32>], vector<16xf32>,
    %add3A_622 = arith.constant 56 : i32
    %add3A_623 = vector.broadcast %add3A_622 : i32 to vector<16xi32>
    %add3A_624 = arith.addi %add3A_623, %and3A_401 : vector<16xi32>
    %gather3A_625 = tpu.vector_load_idx %arg7[%add3A_624] : memref<64xf32, #tpu.memory_space<vmem>>[vector<16xi32>], vector<16xf32>,
    %gather3A_626 = tpu.vector_load_idx %arg8[%add3A_624] : memref<64xf32, #tpu.memory_space<vmem>>[vector<16xi32>], vector<16xf32>,
    %neg3A_627 = arith.constant 0.000000e+00 : f32
    %neg3A_628 = vector.broadcast %neg3A_627 : f32 to vector<16xf32>
    %neg3A_629 = arith.subf %neg3A_628, %gather3A_626 : vector<16xf32>
    %select_n3A_630 = arith.select %lt3A_403, %gather3A_625, %neg3A_629 : vector<16xi1>, vector<16xf32>
    %add3A_631 = arith.constant 88 : i32
    %add3A_632 = vector.broadcast %add3A_631 : i32 to vector<16xi32>
    %add3A_633 = arith.addi %add3A_632, %and3A_401 : vector<16xi32>
    %add3A_634 = arith.constant 88 : i32
    %add3A_635 = vector.broadcast %add3A_634 : i32 to vector<16xi32>
    %add3A_636 = arith.addi %add3A_635, %and3A_401 : vector<16xi32>
    %jit3A_637 = arith.constant 0 : i32
    %jit3A_638 = arith.constant 32 : i32
    %broadcast_in_dim3A_639 = vector.broadcast %jit3A_637 : i32 to vector<16xi32>
    %broadcast_in_dim3A_640 = vector.broadcast %jit3A_638 : i32 to vector<16xi32>
    %select_n3A_641 = arith.select %lt3A_403, %broadcast_in_dim3A_639, %broadcast_in_dim3A_640 : vector<16xi1>, vector<16xi32>
    %add3A_642 = arith.addi %add3A_636, %select_n3A_641 : vector<16xi32>
    tpu.vector_store_idx %arg5[%add3A_633, %add3A_642], %select_n3A_630 : memref<128x128xf32, #tpu.memory_space<vmem>>[vector<16xi32>, vector<16xi32>], vector<16xf32>,
    %add3A_643 = arith.constant 32 : i32
    %add3A_644 = vector.broadcast %add3A_643 : i32 to vector<16xi32>
    %add3A_645 = arith.addi %add3A_644, %and3A_401 : vector<16xi32>
    %gather3A_646 = tpu.vector_load_idx %arg7[%add3A_645] : memref<64xf32, #tpu.memory_space<vmem>>[vector<16xi32>], vector<16xf32>,
    %gather3A_647 = tpu.vector_load_idx %arg8[%add3A_645] : memref<64xf32, #tpu.memory_space<vmem>>[vector<16xi32>], vector<16xf32>,
    %select_n3A_648 = arith.select %lt3A_403, %gather3A_646, %gather3A_647 : vector<16xi1>, vector<16xf32>
    %add3A_649 = arith.constant 96 : i32
    %add3A_650 = vector.broadcast %add3A_649 : i32 to vector<16xi32>
    %add3A_651 = arith.addi %add3A_650, %and3A_401 : vector<16xi32>
    %add3A_652 = arith.constant 96 : i32
    %add3A_653 = vector.broadcast %add3A_652 : i32 to vector<16xi32>
    %add3A_654 = arith.addi %add3A_653, %and3A_401 : vector<16xi32>
    %jit3A_655 = arith.constant 0 : i32
    %jit3A_656 = arith.constant -32 : i32
    %broadcast_in_dim3A_657 = vector.broadcast %jit3A_655 : i32 to vector<16xi32>
    %broadcast_in_dim3A_658 = vector.broadcast %jit3A_656 : i32 to vector<16xi32>
    %select_n3A_659 = arith.select %lt3A_403, %broadcast_in_dim3A_657, %broadcast_in_dim3A_658 : vector<16xi1>, vector<16xi32>
    %add3A_660 = arith.addi %add3A_654, %select_n3A_659 : vector<16xi32>
    tpu.vector_store_idx %arg5[%add3A_651, %add3A_660], %select_n3A_648 : memref<128x128xf32, #tpu.memory_space<vmem>>[vector<16xi32>, vector<16xi32>], vector<16xf32>,
    %add3A_661 = arith.constant 40 : i32
    %add3A_662 = vector.broadcast %add3A_661 : i32 to vector<16xi32>
    %add3A_663 = arith.addi %add3A_662, %and3A_401 : vector<16xi32>
    %gather3A_664 = tpu.vector_load_idx %arg7[%add3A_663] : memref<64xf32, #tpu.memory_space<vmem>>[vector<16xi32>], vector<16xf32>,
    %gather3A_665 = tpu.vector_load_idx %arg8[%add3A_663] : memref<64xf32, #tpu.memory_space<vmem>>[vector<16xi32>], vector<16xf32>,
    %select_n3A_666 = arith.select %lt3A_403, %gather3A_664, %gather3A_665 : vector<16xi1>, vector<16xf32>
    %add3A_667 = arith.constant 104 : i32
    %add3A_668 = vector.broadcast %add3A_667 : i32 to vector<16xi32>
    %add3A_669 = arith.addi %add3A_668, %and3A_401 : vector<16xi32>
    %add3A_670 = arith.constant 104 : i32
    %add3A_671 = vector.broadcast %add3A_670 : i32 to vector<16xi32>
    %add3A_672 = arith.addi %add3A_671, %and3A_401 : vector<16xi32>
    %jit3A_673 = arith.constant 0 : i32
    %jit3A_674 = arith.constant -32 : i32
    %broadcast_in_dim3A_675 = vector.broadcast %jit3A_673 : i32 to vector<16xi32>
    %broadcast_in_dim3A_676 = vector.broadcast %jit3A_674 : i32 to vector<16xi32>
    %select_n3A_677 = arith.select %lt3A_403, %broadcast_in_dim3A_675, %broadcast_in_dim3A_676 : vector<16xi1>, vector<16xi32>
    %add3A_678 = arith.addi %add3A_672, %select_n3A_677 : vector<16xi32>
    tpu.vector_store_idx %arg5[%add3A_669, %add3A_678], %select_n3A_666 : memref<128x128xf32, #tpu.memory_space<vmem>>[vector<16xi32>, vector<16xi32>], vector<16xf32>,
    %add3A_679 = arith.constant 48 : i32
    %add3A_680 = vector.broadcast %add3A_679 : i32 to vector<16xi32>
    %add3A_681 = arith.addi %add3A_680, %and3A_401 : vector<16xi32>
    %gather3A_682 = tpu.vector_load_idx %arg7[%add3A_681] : memref<64xf32, #tpu.memory_space<vmem>>[vector<16xi32>], vector<16xf32>,
    %gather3A_683 = tpu.vector_load_idx %arg8[%add3A_681] : memref<64xf32, #tpu.memory_space<vmem>>[vector<16xi32>], vector<16xf32>,
    %select_n3A_684 = arith.select %lt3A_403, %gather3A_682, %gather3A_683 : vector<16xi1>, vector<16xf32>
    %add3A_685 = arith.constant 112 : i32
    %add3A_686 = vector.broadcast %add3A_685 : i32 to vector<16xi32>
    %add3A_687 = arith.addi %add3A_686, %and3A_401 : vector<16xi32>
    %add3A_688 = arith.constant 112 : i32
    %add3A_689 = vector.broadcast %add3A_688 : i32 to vector<16xi32>
    %add3A_690 = arith.addi %add3A_689, %and3A_401 : vector<16xi32>
    %jit3A_691 = arith.constant 0 : i32
    %jit3A_692 = arith.constant -32 : i32
    %broadcast_in_dim3A_693 = vector.broadcast %jit3A_691 : i32 to vector<16xi32>
    %broadcast_in_dim3A_694 = vector.broadcast %jit3A_692 : i32 to vector<16xi32>
    %select_n3A_695 = arith.select %lt3A_403, %broadcast_in_dim3A_693, %broadcast_in_dim3A_694 : vector<16xi1>, vector<16xi32>
    %add3A_696 = arith.addi %add3A_690, %select_n3A_695 : vector<16xi32>
    tpu.vector_store_idx %arg5[%add3A_687, %add3A_696], %select_n3A_684 : memref<128x128xf32, #tpu.memory_space<vmem>>[vector<16xi32>, vector<16xi32>], vector<16xf32>,
    %add3A_697 = arith.constant 56 : i32
    %add3A_698 = vector.broadcast %add3A_697 : i32 to vector<16xi32>
    %add3A_699 = arith.addi %add3A_698, %and3A_401 : vector<16xi32>
    %gather3A_700 = tpu.vector_load_idx %arg7[%add3A_699] : memref<64xf32, #tpu.memory_space<vmem>>[vector<16xi32>], vector<16xf32>,
    %gather3A_701 = tpu.vector_load_idx %arg8[%add3A_699] : memref<64xf32, #tpu.memory_space<vmem>>[vector<16xi32>], vector<16xf32>,
    %select_n3A_702 = arith.select %lt3A_403, %gather3A_700, %gather3A_701 : vector<16xi1>, vector<16xf32>
    %add3A_703 = arith.constant 120 : i32
    %add3A_704 = vector.broadcast %add3A_703 : i32 to vector<16xi32>
    %add3A_705 = arith.addi %add3A_704, %and3A_401 : vector<16xi32>
    %add3A_706 = arith.constant 120 : i32
    %add3A_707 = vector.broadcast %add3A_706 : i32 to vector<16xi32>
    %add3A_708 = arith.addi %add3A_707, %and3A_401 : vector<16xi32>
    %jit3A_709 = arith.constant 0 : i32
    %jit3A_710 = arith.constant -32 : i32
    %broadcast_in_dim3A_711 = vector.broadcast %jit3A_709 : i32 to vector<16xi32>
    %broadcast_in_dim3A_712 = vector.broadcast %jit3A_710 : i32 to vector<16xi32>
    %select_n3A_713 = arith.select %lt3A_403, %broadcast_in_dim3A_711, %broadcast_in_dim3A_712 : vector<16xi1>, vector<16xi32>
    %add3A_714 = arith.addi %add3A_708, %select_n3A_713 : vector<16xi32>
    tpu.vector_store_idx %arg5[%add3A_705, %add3A_714], %select_n3A_702 : memref<128x128xf32, #tpu.memory_space<vmem>>[vector<16xi32>, vector<16xi32>], vector<16xf32>,
    "tpu.region"() ({
      %run_scoped3A = tpu.sem_alloc : memref<!tpu.dma_semaphore, #tpu.memory_space<semaphore_mem>>
      %dma_start3A_715 = tpu.memref_slice %arg3[%mul3A_4, %mul3A_4] : memref<4096x4096xf32, #tpu.memory_space<hbm>> -> memref<128x128xf32, #tpu.memory_space<hbm>>
      %dma_start3A_716 = tpu.memref_slice %arg3[%mul3A_4, %mul3A_4] : memref<4096x4096xf32, #tpu.memory_space<hbm>> -> memref<128x128xf32, #tpu.memory_space<hbm>>
      tpu.enqueue_dma source(%arg5 : memref<128x128xf32, #tpu.memory_space<vmem>>) target(%dma_start3A_716 : memref<128x128xf32, #tpu.memory_space<hbm>>) target_semaphore(%run_scoped3A : memref<!tpu.dma_semaphore, #tpu.memory_space<semaphore_mem>>)
      %dma_wait3A_717 = tpu.memref_slice %arg3[%mul3A_4, %mul3A_4] : memref<4096x4096xf32, #tpu.memory_space<hbm>> -> memref<128x128xf32, #tpu.memory_space<hbm>>
      %dma_wait3A_718 = tpu.memref_slice %arg3[%mul3A_4, %mul3A_4] : memref<4096x4096xf32, #tpu.memory_space<hbm>> -> memref<128x128xf32, #tpu.memory_space<hbm>>
      tpu.wait_dma2 semaphore(%run_scoped3A : memref<!tpu.dma_semaphore, #tpu.memory_space<semaphore_mem>>) src(%arg5 : memref<128x128xf32, #tpu.memory_space<vmem>>) dst(%dma_wait3A_718 : memref<128x128xf32, #tpu.memory_space<hbm>>)
      tpu.yield
    }) : () -> ()
    return
  }
}

module attributes {stable_mosaic.version = 14 : i64} {
  func.func @_fill_body(%arg0: i32, %arg1: memref<256x4096xf32, #tpu.memory_space<vmem>>) attributes {dimension_semantics = [#tpu.dimension_semantics<arbitrary>], iteration_bounds = array<i64: 16>, scalar_prefetch = 0 : i64, scratch_operands = 0 : i64, tpu.core_type = #tpu.core_type<tc>, window_params = [{transform_indices = @transform_0, window_bounds = array<i64: 256, 4096>}]} {
    %broadcast_in_dim3A = arith.constant 0.000000e+00 : f32
    %broadcast_in_dim3A_0 = vector.broadcast %broadcast_in_dim3A : f32 to vector<256x4096xf32>
    %swap3A = arith.constant 0 : index
    %swap3A_1 = arith.constant 0 : index
    %swap3A_2 = vector.load %arg1[%swap3A, %swap3A_1] : memref<256x4096xf32, #tpu.memory_space<vmem>>, vector<256x4096xf32>
    tpu.vector_store %arg1[%swap3A, %swap3A_1], %broadcast_in_dim3A_0 {strides = array<i32>} : memref<256x4096xf32, #tpu.memory_space<vmem>>, vector<256x4096xf32>,
    return
  }
  func.func @transform_0(%arg0: i32) -> (i32, i32) {
    %c0_i32 = arith.constant 0 : i32
    %c0_i32_0 = arith.constant 0 : i32
    return %arg0, %c0_i32 : i32, i32
  }
}

</mosaic_0001>

<sc_bundles>
// kernel: kernel.4.cloned.1.call-start
scs
__scs_entry_jumppad:
0x0: {  	(pc) =	sbr.rel $0x88, $3  }
0x1: {  	(tag) =	ssettag $0x0;
	lr =	simm.s32 $0x1  }
0x2: {  	[smem:$0x3FA0] =	sst lr;
	_ =	strace $0xD0000000  }
0x3: {  	_ = 	snop  }
0x4: {  	_ = 	snop  }
0x5: {  	_ = 	snop  }
0x6: {  	_ = 	snop  }
0x7: {  	_ = 	snop  }
__scs_overlays_trampoline_lowered:
0x8: {  	[smem:$0x3FAF] =	sst s0  }
0x9: {  	[smem:$0x3FB0] =	sst s1  }
0xa: {  	[smem:$0x3FB1] =	sst s2  }
0xb: {  	[smem:$0x3FB2] =	sst s3  }
0xc: {  	[smem:$0x3FB3] =	sst s4  }
0xd: {  	[smem:$0x3FB4] =	sst s5  }
0xe: {  	[smem:$0x3FB5] =	sst s6  }
0xf: {  	[smem:$0x3FB6] =	sst s7  }
0x10: {  	[smem:$0x3FB7] =	sst s8  }
0x11: {  	[smem:$0x3FB8] =	sst s9;
	s0 =	simm.s32 @!p0 $0x0  }
0x12: {  	s1 =	sld [smem:$0x3F9E];
	s0 =	simm.s32 @p0 $0x1  }
0x13: {  	[smem:$0x3FB9] =	sst s0;
	s0 =	simm.s32 @!p1 $0x0  }
0x14: {  	s2 =	sld [smem:$0x3F9D];
	s0 =	simm.s32 @p1 $0x1  }
0x15: {  	[smem:$0x3FBA] =	sst s0;
	s0 =	simm.s32 @!p2 $0x0  }
0x16: {  	s3 =	sld [smem:$0x3FDB];
	s0 =	simm.s32 @p2 $0x1  }
0x17: {  	s4 =	simm.s32 $0x1BF5;
	[smem:$0x3FBC] =	sst s0  }
0x18: {  	s0 =	sld [smem:$0x3F9F];
	_ =	swait.ge [sflag:s4], $0x0  }
0x19: {  	s7 =	sld [smem:$0x3FA0]  }
0x1a: {  	s8 =	sadd.s32 $0xFFFFE003, lr  }
0x1b: {  	s9 =	sadd.s32 $0xFFFFFEF7, lr;
	s5 =	simm.s32 $0xFFFFFFFF;
	p2 =	slt.u32 s8, $0xFFFFF086  }
0x1c: {  	p1 =	slt.u32 s9, $0xF7A;
	s5 =	simm.s32 @!p2 $0x0  }
0x1d: {  	s5 =	simm.s32 @p1 $0x1;
	p0 =	seq.s32 s7, s2  }
0x1e: {  	s7 =	smul.u32 @!p0 $0xF7A, s2;
	p2 =	seq.s32 @!p0 s5, $0x0  }
0x1f: {  	s9 =	smul.u32 $0xF7A, s1;
	s8 =	simm.s32 @!p0 $0x1BF5;
	p2 =	por !p2, p0  }
0x20: {  	[sflag:s8] =	ssyncset.s32 @!p0 $0xFFFFF086;
	s6 =	sadd.s32 @!p0 s3, s7;
	s7 =	simm.s32 @!p0 $0x108  }
0x21: {  	s3 =	sadd.s32 s3, s9;
	s6 =	sadd.s32 @!p0 $0x88, s6;
	s7 =	simm.s32 @p2 $0x1082  }
0x22: {  	[simem:s7], [sflag:s8] =	dma.local @!p0 [hbm:s6], $0xF7A  }
0x23: {  	s9 =	sor.u32 $0xD0000000, s2;
	s6 =	simm.s32 $0x108;
	_ =	swait.ge @!p0 [sflag:s8], $0x0  }
0x24: {  	s3 =	sadd.s32 $0x88, s3;
	s6 =	simm.s32 @!p1 $0x1082;
	[sflag:s4] =	ssyncset.s32 $0xFFFFF086  }
0x25: {  	[simem:s6], [sflag:s4] =	dma.local [hbm:s3], $0xF7A  }
0x26: {  	[smem:$0x3FA0] =	sst s1;
	(tag) =	ssettag s2;
	_ =	strace s9  }
0x27: {  	s1 =	sld [smem:$0x3FB0]  }
0x28: {  	s2 =	sld [smem:$0x3FB1]  }
0x29: {  	s4 =	sld [smem:$0x3FB3]  }
0x2a: {  	p0 =	seq.s32 s5, $0x0;
	s5 =	sld [smem:$0x3FB4]  }
0x2b: {  	s6 =	sld [smem:$0x3FB5]  }
0x2c: {  	s7 =	sld [smem:$0x3FB6]  }
0x2d: {  	s3 =	simm.s32 $0x108;
	s8 =	sld [smem:$0x3FB7]  }
0x2e: {  	s3 =	simm.s32 @!p0 $0x1082;
	s9 =	sld [smem:$0x3FB8]  }
0x2f: {  	lr =	sadd.s32 s0, s3;
	s0 =	sld [smem:$0x3FAF]  }
0x30: {  	s3 =	sld [smem:$0x3FB2]  }
0x31: {  	[smem:$0x3FBB] =	sst s10  }
0x32: {  	s10 =	sld [smem:$0x3FB9];
	_ =	sdelay $0x3  }
0x33: {  	p0 =	seq.s32 s10, $0x1;
	s10 =	sld [smem:$0x3FBB];
	_ =	sdelay $0x3  }
0x34: {  	[smem:$0x3FBB] =	sst s10  }
0x35: {  	s10 =	sld [smem:$0x3FBA];
	_ =	sdelay $0x3  }
0x36: {  	p1 =	seq.s32 s10, $0x1;
	s10 =	sld [smem:$0x3FBB];
	_ =	sdelay $0x3  }
0x37: {  	[smem:$0x3FBB] =	sst s10  }
0x38: {  	s10 =	sld [smem:$0x3FBC]  }
0x39: {  	_ = 	snop;
	(pc) =	sbr.ind lr, $3  }
0x3a: {  	_ = 	snop  }
0x3b: {  	_ = 	snop  }
0x3c: {  	p2 =	seq.s32 s10, $0x1;
	s10 =	sld [smem:$0x3FBB]  }
0x3d: {  	_ =	shalt  }
0x3e: {  	_ =	shalt  }
0x3f: {  	_ =	shalt  }
0x40: {  	_ =	shalt  }
0x41: {  	_ =	shalt  }
0x42: {  	_ =	shalt  }
0x43: {  	_ =	shalt  }
0x44: {  	_ =	shalt  }
0x45: {  	_ =	shalt  }
0x46: {  	_ =	shalt  }
0x47: {  	_ =	shalt  }
0x48: {  	_ =	shalt  }
0x49: {  	_ =	shalt  }
0x4a: {  	_ =	shalt  }
0x4b: {  	_ =	shalt  }
0x4c: {  	_ =	shalt  }
0x4d: {  	_ =	shalt  }
0x4e: {  	_ =	shalt  }
0x4f: {  	_ =	shalt  }
0x50: {  	_ =	shalt  }
0x51: {  	_ =	shalt  }
0x52: {  	_ =	shalt  }
0x53: {  	_ =	shalt  }
0x54: {  	_ =	shalt  }
0x55: {  	_ =	shalt  }
0x56: {  	_ =	shalt  }
0x57: {  	_ =	shalt  }
0x58: {  	_ =	shalt  }
0x59: {  	_ =	shalt  }
0x5a: {  	_ =	shalt  }
0x5b: {  	_ =	shalt  }
0x5c: {  	_ =	shalt  }
0x5d: {  	_ =	shalt  }
0x5e: {  	_ =	shalt  }
0x5f: {  	_ =	shalt  }
0x60: {  	_ =	shalt  }
0x61: {  	_ =	shalt  }
0x62: {  	_ =	shalt  }
0x63: {  	_ =	shalt  }
0x64: {  	_ =	shalt  }
0x65: {  	_ =	shalt  }
0x66: {  	_ =	shalt  }
0x67: {  	_ =	shalt  }
0x68: {  	_ =	shalt  }
0x69: {  	_ =	shalt  }
0x6a: {  	_ =	shalt  }
0x6b: {  	_ =	shalt  }
0x6c: {  	_ =	shalt  }
0x6d: {  	_ =	shalt  }
0x6e: {  	_ =	shalt  }
0x6f: {  	_ =	shalt  }
0x70: {  	_ =	shalt  }
0x71: {  	_ =	shalt  }
0x72: {  	_ =	shalt  }
0x73: {  	_ =	shalt  }
0x74: {  	_ =	shalt  }
0x75: {  	_ =	shalt  }
0x76: {  	_ =	shalt  }
0x77: {  	_ =	shalt  }
0x78: {  	_ =	shalt  }
0x79: {  	_ =	shalt  }
0x7a: {  	_ =	shalt  }
0x7b: {  	_ =	shalt  }
0x7c: {  	_ =	shalt  }
0x7d: {  	_ =	shalt  }
0x7e: {  	_ =	shalt  }
0x7f: {  	_ =	shalt  }
0x80: {  	_ =	shalt  }
0x81: {  	_ =	shalt  }
0x82: {  	_ =	shalt  }
0x83: {  	_ =	shalt  }
0x84: {  	_ =	shalt  }
0x85: {  	_ =	shalt  }
0x86: {  	_ =	shalt  }
0x87: {  	_ =	shalt  }
.Lfunc_end0:
.L_simem_size_0:
called_computation_lowered:
.L_overlay_start_0:
0x88: {  	s2 =	sld [smem:$0x3FD9]  }
0x89: {  	s3 =	sld [smem:$0x3FFE];
	_ =	sdelay $0x1  }
0x8a: {  	s1 =	srdreg.scid  }
0x8b: {  	s0 =	sand.u32 $0x1, s1  }
0x8c: {  	s18 =	sshll.u32 s0, $0xA;
	s2 =	sadd.s32 s3, s2  }
0x8d: {  	s2 =	sadd.s32 s2, s18  }
0x8e: {  	[smem:$0x3FC7] =	sst s2  }
0x8f: {  	_ = 	snop  }
0x90: {  	s2 =	sld [smem:$0x3FC9]  }
0x91: {  	s19 =	sld [smem:$0x3FD0];
	(tm) =	ssettm $0x1  }
0x92: {  	s4 =	sld [smem:$0x3FFB];
	_ =	sdelay $0x3  }
0x93: {  	_ =	strace s4  }
0x94: {  	s4 =	sld [smem:$0x3FFC];
	_ =	sdelay $0x3  }
0x95: {  	_ =	strace s4  }
0x96: {  	s4 =	sld [smem:$0x3FFD];
	_ =	sdelay $0x3  }
0x97: {  	_ =	strace s4  }
0x98: {  	_ =	strace $0x8FFFFFFF  }
0x99: {  	s20 =	sld [smem:$0x3FDB];
	_ =	sdelay $0x1  }
0x9a: {  	s5 =	simm.s32 $_scs_section_size  }
0x9b: {  	s6 =	simm.s32 $_size__tile_overlayer_lowered;
	s7 =	simm.s32 $_tile_overlayer_lowered  }
0x9c: {  	s23 =	simm.s32 $0x1BFF;
	s22 =	sshll.u32 s7, $0x1;
	s4 =	sadd.s32 s5, s20  }
0x9d: {  	s8 =	simm.s32 $0x0;
	s21 =	sshll.u32 s6, $0x1;
	s6 =	sadd.s32 s22, s4  }
0x9e: {  	[timem:s8], [sflag:s23] =	dma.local [hbm:s6], s21  }
0x9f: {  	_ =	swait.ge [sflag:s23], s21  }
0xa0: {  	s5 =	ssub.s32 $0x0, s21;
	[sflag:s23] =	ssyncset.done $0x0  }
0xa1: {  	[sflag:s23] =	ssyncadd.s32 s5;
	_ =	sdelay $0x1  }
0xa2: {  	s24 =	simm.s32 $0x1B8B  }
0xa3: {  	_ =	swait.ge [sflag:s24], $0x1  }
0xa4: {  	[sflag:s24] =	ssyncset.done $0x0  }
0xa5: {  	s25 =	simm.s32 $0x1B8E;
	[sflag:s24] =	ssyncadd.s32 $0xFFFFFFFF  }
0xa6: {  	s26 =	simm.s32 $execute0_lowered;
	[smem:$0x3FD2] =	sst s25  }
0xa7: {  	s5 =	sshll.u32 s26, $0x1;
	_ =	strace $0x80000046;
	[dreg:$0x1] =	wrdreg $0xFFFFFFFF  }
0xa8: {  	s28 =	simm.s32 $_size_execute0_lowered;
	s4 =	sadd.s32 s4, s5;
	[dreg:$0x0] =	wrdreg $0x0  }
0xa9: {  	s5 =	sshll.u32 s28, $0x1;
	[dreg:$0x2] =	wrdreg s4  }
0xaa: {  	[dreg:$0x3] =	wrdreg s5  }
0xab: {  	[dreg:$0x4] =	wrdreg $0xC0  }
0xac: {  	_ =	task [dreg:s8], $0x5FFFF  }
0xad: {  	[dreg:$0x1] =	wrdreg $0xFFFFFFFF  }
0xae: {  	[dreg:$0x0] =	wrdreg $0x60  }
0xaf: {  	[dreg:$0x2] =	wrdreg s2  }
0xb0: {  	[dreg:$0x3] =	wrdreg s19  }
0xb1: {  	[dreg:$0x4] =	wrdreg $0x9  }
0xb2: {  	_ =	task.clear_ibuf [dreg:s8], $0x5FFFF;
	_ =	strace $0x90000046  }
0xb3: {  	s29 =	simm.s32 $0x9;
	_ =	strace $0x80000048  }
0xb4: {  	_ =	swait.ge [sflag:s29], $0x1  }
0xb5: {  	[sflag:s29] =	ssyncadd.s32 $0xFFFFFFFF  }
0xb6: {  	_ =	strace $0x90000048  }
0xb7: {  	_ =	sfence  }
0xb8: {  	s30 =	sld [smem:$0x0];
	_ =	sdelay $0x2  }
0xb9: {  	s31 =	sshll.u32 s1, $0xD;
	s1 =	sshrl.u32 s1, $0x2  }
0xba: {  	s3 =	sand.u32 $0x4000, s31;
	s1 =	sadd.s32 s1, s30  }
0xbb: {  	s0 =	sor.u32 s3, s0;
	s1 =	sshll.u32 s1, $0x11  }
0xbc: {  	s0 =	sor.u32 s1, s0  }
0xbd: {  	s0 =	sadd.s32 $0x8F2B, s0  }
0xbe: {  	[sflag:s0] =	ssyncadd.remote.s32 $0x1  }
0xbf: {  	_ =	sfence.sel $0xFFFF  }
0xc0: {  	[dreg:$0x0] =	wrdreg $0xFFFFFFFF;
	(pc) =	sbr.abs _section_cstart, $3  }
0xc1: {  	[dreg:$0x1] =	wrdreg $0xFFFFFFFF  }
0xc2: {  	_ =	task.clear_ibuf [dreg:s8], $0x2FFFF;
	_ =	strace $0x9FFFFFFF  }
0xc3: {  	(tm) =	ssettm $0x7FFFFFFF  }
tec
execute0_lowered:
.L_overlay_start_1:
0x0: {  	(tag) =	ssettag $0x1  }
0x1: {  	v0 =	vimm.s32 $0x3A7  }
0x2: {  	vm15 =	vcmask $0x300;
	vm14 =	vcmask $0x704;
	vm13 =	vcmask $0xB08  }
0x3: {  	vm12 =	vcmask $0xF0C;
	vm11 =	vcmask $0x1310;
	vm10 =	vcmask $0x1714  }
0x4: {  	vm9 =	vcmask $0x1B18;
	vm8 =	vcmask $0x1F1C;
	vm7 =	vcmask $0x2320  }
0x5: {  	vm6 =	vcmask $0x2724;
	v20 =	vlaneseq.u32;
	vm5 =	vcmask $0x2B28  }
0x6: {  	vm4 =	vcmask $0x2F2C;
	vm0 =	vmmov $0xff;
	vm3 =	vcmask $0x3330  }
0x7: {  	vm2 =	vcmask $0x3734;
	v4 =	vimm.s32 $0x7AF;
	vm1 =	vcmask $0x3B38  }
0x8: {  	v6 =	vimm.s32 $0xBB7;
	v7 =	vimm.s32 $0xFBF;
	v10 =	vimm.s32 $0x1387  }
0x9: {  	v11 =	vimm.s32 $0x178F;
	v12 =	vimm.s32 $0x1B97;
	v13 =	vimm.s32 $0x1F9F  }
0xa: {  	v14 =	vimm.s32 $0x23E7;
	v15 =	vimm.s32 $0x27EF;
	v19 =	vimm.s32 $0x2BF7  }
0xb: {  	v21 =	vimm.s32 $0x2FFF;
	v22 =	vimm.s32 $0x33C7;
	v23 =	vimm.s32 $0x37CF  }
0xc: {  	v24 =	vimm.s32 $0x3BD7;
	v25 =	vimm.s32 $0x3FDF;
	v0 =	vsel vm15, $0x0, v0  }
0xd: {  	v4 =	vsel vm15, $0x408, v4;
	v6 =	vsel vm15, $0x810, v6;
	v7 =	vsel vm15, $0xC18, v7  }
0xe: {  	v10 =	vsel vm15, $0x1020, v10;
	v11 =	vsel vm15, $0x1428, v11;
	v12 =	vsel vm15, $0x1830, v12  }
0xf: {  	v13 =	vsel vm15, $0x1C38, v13;
	v14 =	vsel vm15, $0x2040, v14;
	v15 =	vsel vm15, $0x2448, v15  }
0x10: {  	v19 =	vsel vm15, $0x2850, v19;
	v21 =	vsel vm15, $0x2C58, v21;
	v22 =	vsel vm15, $0x3060, v22  }
0x11: {  	v23 =	vsel vm15, $0x3468, v23;
	v24 =	vsel vm15, $0x3870, v24;
	v25 =	vsel vm15, $0x3C78, v25  }
0x12: {  	v0 =	vsel vm14, $0x81, v0;
	v5 =	vsel vm14, $0x489, v4;
	v6 =	vsel vm14, $0x891, v6  }
0x13: {  	v7 =	vsel vm14, $0xC99, v7;
	v10 =	vsel vm14, $0x10A1, v10;
	v11 =	vsel vm14, $0x14A9, v11  }
0x14: {  	v12 =	vsel vm14, $0x18B1, v12;
	v13 =	vsel vm14, $0x1CB9, v13;
	v14 =	vsel vm14, $0x20C1, v14  }
0x15: {  	v15 =	vsel vm14, $0x24C9, v15;
	v19 =	vsel vm14, $0x28D1, v19;
	v21 =	vsel vm14, $0x2CD9, v21  }
0x16: {  	v22 =	vsel vm14, $0x30E1, v22;
	v23 =	vsel vm14, $0x34E9, v23;
	v24 =	vsel vm14, $0x38F1, v24  }
0x17: {  	v25 =	vsel vm14, $0x3CF9, v25;
	v0 =	vsel vm13, $0x102, v0;
	v5 =	vsel vm13, $0x50A, v5  }
0x18: {  	v6 =	vsel vm13, $0x912, v6;
	v7 =	vsel vm13, $0xD1A, v7;
	v10 =	vsel vm13, $0x1122, v10  }
0x19: {  	v11 =	vsel vm13, $0x152A, v11;
	v12 =	vsel vm13, $0x1932, v12;
	v13 =	vsel vm13, $0x1D3A, v13  }
0x1a: {  	v14 =	vsel vm13, $0x2142, v14;
	v15 =	vsel vm13, $0x254A, v15;
	v19 =	vsel vm13, $0x2952, v19  }
0x1b: {  	v21 =	vsel vm13, $0x2D5A, v21;
	v22 =	vsel vm13, $0x3162, v22;
	v23 =	vsel vm13, $0x356A, v23  }
0x1c: {  	v24 =	vsel vm13, $0x3972, v24;
	v25 =	vsel vm13, $0x3D7A, v25;
	v0 =	vsel vm12, $0x183, v0  }
0x1d: {  	v5 =	vsel vm12, $0x58B, v5;
	v6 =	vsel vm12, $0x993, v6;
	v7 =	vsel vm12, $0xD9B, v7  }
0x1e: {  	v10 =	vsel vm12, $0x11A3, v10;
	v11 =	vsel vm12, $0x15AB, v11;
	v12 =	vsel vm12, $0x19B3, v12  }
0x1f: {  	v13 =	vsel vm12, $0x1DBB, v13;
	v14 =	vsel vm12, $0x21C3, v14;
	v15 =	vsel vm12, $0x25CB, v15  }
0x20: {  	v19 =	vsel vm12, $0x29D3, v19;
	v21 =	vsel vm12, $0x2DDB, v21;
	v22 =	vsel vm12, $0x31E3, v22  }
0x21: {  	v23 =	vsel vm12, $0x35EB, v23;
	v24 =	vsel vm12, $0x39F3, v24;
	v25 =	vsel vm12, $0x3DFB, v25  }
0x22: {  	v0 =	vsel vm11, $0x204, v0;
	v5 =	vsel vm11, $0x60C, v5;
	v6 =	vsel vm11, $0xA14, v6  }
0x23: {  	v7 =	vsel vm11, $0xE1C, v7;
	v10 =	vsel vm11, $0x1224, v10;
	v11 =	vsel vm11, $0x162C, v11  }
0x24: {  	v12 =	vsel vm11, $0x1A34, v12;
	v13 =	vsel vm11, $0x1E3C, v13;
	v14 =	vsel vm11, $0x2244, v14  }
0x25: {  	v15 =	vsel vm11, $0x264C, v15;
	v19 =	vsel vm11, $0x2A54, v19;
	v21 =	vsel vm11, $0x2E5C, v21  }
0x26: {  	v22 =	vsel vm11, $0x3264, v22;
	v23 =	vsel vm11, $0x366C, v23;
	v24 =	vsel vm11, $0x3A74, v24  }
0x27: {  	v25 =	vsel vm11, $0x3E7C, v25;
	v0 =	vsel vm10, $0x285, v0;
	v5 =	vsel vm10, $0x68D, v5  }
0x28: {  	v6 =	vsel vm10, $0xA95, v6;
	v7 =	vsel vm10, $0xE9D, v7;
	v10 =	vsel vm10, $0x12A5, v10  }
0x29: {  	v11 =	vsel vm10, $0x16AD, v11;
	v12 =	vsel vm10, $0x1AB5, v12;
	v13 =	vsel vm10, $0x1EBD, v13  }
0x2a: {  	v14 =	vsel vm10, $0x22C5, v14;
	v15 =	vsel vm10, $0x26CD, v15;
	v19 =	vsel vm10, $0x2AD5, v19  }
0x2b: {  	v21 =	vsel vm10, $0x2EDD, v21;
	v22 =	vsel vm10, $0x32E5, v22;
	v23 =	vsel vm10, $0x36ED, v23  }
0x2c: {  	v24 =	vsel vm10, $0x3AF5, v24;
	v25 =	vsel vm10, $0x3EFD, v25;
	v1 =	vsel vm9, $0x306, v0  }
0x2d: {  	v0 =	vimm.f32 $0.0e+00;
	v5 =	vsel vm9, $0x70E, v5;
	v6 =	vsel vm9, $0xB16, v6  }
0x2e: {  	v7 =	vsel vm9, $0xF1E, v7;
	v10 =	vsel vm9, $0x1326, v10;
	v11 =	vsel vm9, $0x172E, v11  }
0x2f: {  	v12 =	vsel vm9, $0x1B36, v12;
	v13 =	vsel vm9, $0x1F3E, v13;
	v14 =	vsel vm9, $0x2346, v14  }
0x30: {  	v15 =	vsel vm9, $0x274E, v15;
	v19 =	vsel vm9, $0x2B56, v19;
	v21 =	vsel vm9, $0x2F5E, v21  }
0x31: {  	v22 =	vsel vm9, $0x3366, v22;
	v23 =	vsel vm9, $0x376E, v23;
	v24 =	vsel vm9, $0x3B76, v24  }
0x32: {  	v25 =	vsel vm9, $0x3F7E, v25;
	v2 =	vsel vm8, $0x387, v1;
	v1 =	vimm.f32 $-5.000000000e-01  }
0x33: {  	v5 =	vsel vm8, $0x78F, v5;
	v6 =	vsel vm8, $0xB97, v6;
	v7 =	vsel vm8, $0xF9F, v7  }
0x34: {  	v10 =	vsel vm8, $0x13A7, v10;
	v11 =	vsel vm8, $0x17AF, v11;
	v12 =	vsel vm8, $0x1BB7, v12  }
0x35: {  	v13 =	vsel vm8, $0x1FBF, v13;
	v14 =	vsel vm8, $0x23C7, v14;
	v15 =	vsel vm8, $0x27CF, v15  }
0x36: {  	v19 =	vsel vm8, $0x2BD7, v19;
	v21 =	vsel vm8, $0x2FDF, v21;
	v22 =	vsel vm8, $0x33E7, v22  }
0x37: {  	v23 =	vsel vm8, $0x37EF, v23;
	v24 =	vsel vm8, $0x3BF7, v24;
	v25 =	vsel vm8, $0x3FFF, v25  }
0x38: {  	v2 =	vsel vm7, $0x20, v2;
	v5 =	vsel vm7, $0x428, v5;
	v6 =	vsel vm7, $0x830, v6  }
0x39: {  	v7 =	vsel vm7, $0xC38, v7;
	v10 =	vsel vm7, $0x1000, v10;
	v11 =	vsel vm7, $0x1408, v11  }
0x3a: {  	v12 =	vsel vm7, $0x1810, v12;
	v13 =	vsel vm7, $0x1C18, v13;
	v14 =	vsel vm7, $0x2060, v14  }
0x3b: {  	v15 =	vsel vm7, $0x2468, v15;
	v19 =	vsel vm7, $0x2870, v19;
	v21 =	vsel vm7, $0x2C78, v21  }
0x3c: {  	v22 =	vsel vm7, $0x3040, v22;
	v23 =	vsel vm7, $0x3448, v23;
	v24 =	vsel vm7, $0x3850, v24  }
0x3d: {  	v25 =	vsel vm7, $0x3C58, v25;
	v3 =	vsel vm6, $0xA1, v2;
	v2 =	vand.u32 $0x7, v20  }
0x3e: {  	v5 =	vsel vm6, $0x4A9, v5;
	v6 =	vsel vm6, $0x8B1, v6;
	v7 =	vsel vm6, $0xCB9, v7  }
0x3f: {  	v10 =	vsel vm6, $0x1081, v10;
	v11 =	vsel vm6, $0x1489, v11;
	v12 =	vsel vm6, $0x1891, v12  }
0x40: {  	v13 =	vsel vm6, $0x1C99, v13;
	v14 =	vsel vm6, $0x20E1, v14;
	v15 =	vsel vm6, $0x24E9, v15  }
0x41: {  	v19 =	vsel vm6, $0x28F1, v19;
	v21 =	vsel vm6, $0x2CF9, v21;
	v22 =	vsel vm6, $0x30C1, v22  }
0x42: {  	v20 =	vor.u32 $0x38, v20;
	v23 =	vsel vm6, $0x34C9, v23;
	v24 =	vsel vm6, $0x38D1, v24  }
0x43: {  	v25 =	vsel vm6, $0x3CD9, v25;
	v3 =	vsel vm5, $0x122, v3;
	v4 =	vor.u32 $0x8, v2  }
0x44: {  	v5 =	vsel vm5, $0x52A, v5;
	v6 =	vsel vm5, $0x932, v6;
	v7 =	vsel vm5, $0xD3A, v7  }
0x45: {  	v10 =	vsel vm5, $0x1102, v10;
	v11 =	vsel vm5, $0x150A, v11;
	v12 =	vsel vm5, $0x1912, v12  }
0x46: {  	v13 =	vsel vm5, $0x1D1A, v13;
	v14 =	vsel vm5, $0x2162, v14;
	v15 =	vsel vm5, $0x256A, v15  }
0x47: {  	v18 =	vor.u32 $0x30, v2;
	v19 =	vsel vm5, $0x2972, v19;
	v21 =	vsel vm5, $0x2D7A, v21  }
0x48: {  	v22 =	vsel vm5, $0x3142, v22;
	v23 =	vsel vm5, $0x354A, v23;
	v24 =	vsel vm5, $0x3952, v24  }
0x49: {  	v25 =	vsel vm5, $0x3D5A, v25;
	v3 =	vsel vm4, $0x1A3, v3;
	v5 =	vsel vm4, $0x5AB, v5  }
0x4a: {  	v6 =	vsel vm4, $0x9B3, v6;
	v9 =	vsel vm4, $0xDBB, v7;
	v10 =	vsel vm4, $0x1183, v10  }
0x4b: {  	v11 =	vsel vm4, $0x158B, v11;
	v12 =	vsel vm4, $0x1993, v12;
	v13 =	vsel vm4, $0x1D9B, v13  }
0x4c: {  	v14 =	vsel vm4, $0x21E3, v14;
	v15 =	vsel vm4, $0x25EB, v15;
	v19 =	vsel vm4, $0x29F3, v19  }
0x4d: {  	v21 =	vsel vm4, $0x2DFB, v21;
	v22 =	vsel vm4, $0x31C3, v22;
	v23 =	vsel vm4, $0x35CB, v23  }
0x4e: {  	v24 =	vsel vm4, $0x39D3, v24;
	v25 =	vsel vm4, $0x3DDB, v25;
	v3 =	vsel vm3, $0x224, v3  }
0x4f: {  	v5 =	vsel vm3, $0x62C, v5;
	v8 =	vsel vm3, $0xA34, v6;
	v6 =	vor.u32 $0x10, v2  }
0x50: {  	v9 =	vsel vm3, $0xE3C, v9;
	v10 =	vsel vm3, $0x1204, v10;
	v11 =	vsel vm3, $0x160C, v11  }
0x51: {  	v12 =	vsel vm3, $0x1A14, v12;
	v13 =	vsel vm3, $0x1E1C, v13;
	v16 =	vsel vm3, $0x2264, v14  }
0x52: {  	v14 =	vor.u32 $0x20, v2;
	v17 =	vsel vm3, $0x266C, v15;
	v19 =	vsel vm3, $0x2A74, v19  }
0x53: {  	v21 =	vsel vm3, $0x2E7C, v21;
	v22 =	vsel vm3, $0x3244, v22;
	v23 =	vsel vm3, $0x364C, v23  }
0x54: {  	v24 =	vsel vm3, $0x3A54, v24;
	v25 =	vsel vm3, $0x3E5C, v25;
	v3 =	vsel vm2, $0x2A5, v3  }
0x55: {  	v5 =	vsel vm2, $0x6AD, v5;
	v8 =	vsel vm2, $0xAB5, v8;
	v9 =	vsel vm2, $0xEBD, v9  }
0x56: {  	s3 =	rddreg [dreg:$0x0];
	v10 =	vsel vm2, $0x1285, v10;
	v11 =	vsel vm2, $0x168D, v11;
	v12 =	vsel vm2, $0x1A95, v12  }
0x57: {  	s1 =	srdreg.scid;
	s0 =	stileid.u32;
	v13 =	vsel vm2, $0x1E9D, v13;
	v16 =	vsel vm2, $0x22E5, v16;
	v17 =	vsel vm2, $0x26ED, v17  }
0x58: {  	s4 =	rddreg [dreg:$0x1];
	s2 =	simm.s32 $0x0;
	s9 =	simm.s32 $0x4100;
	v19 =	vsel vm2, $0x2AF5, v19;
	v21 =	vsel vm2, $0x2EFD, v21;
	v22 =	vsel vm2, $0x32C5, v22  }
0x59: {  	s10 =	simm.s32 $0x400;
	s11 =	simm.s32 $0x8000;
	s12 =	simm.s32 $0x2;
	v23 =	vsel vm2, $0x36CD, v23;
	v24 =	vsel vm2, $0x3AD5, v24;
	v25 =	vsel vm2, $0x3EDD, v25  }
0x5a: {  	s13 =	simm.s32 $0x0;
	s5 =	sand.u32 $0x1, s1;
	s6 =	sshll.u32 s0, $0x1;
	v3 =	vsel vm1, $0x326, v3;
	v5 =	vsel vm1, $0x72E, v5;
	v7 =	vsel vm1, $0xB36, v8  }
0x5b: {  	[smem:$0x7FF] =	sst s2;
	s6 =	sor.u32 s5, s6;
	s5 =	ssub.s32 $0x2, s5;
	v8 =	vor.u32 $0x18, v2;
	v9 =	vsel vm1, $0xF3E, v9;
	v10 =	vsel vm1, $0x1306, v10  }
0x5c: {  	s1 =	rddreg [dreg:$0x2];
	_ =	strace $0x80000047;
	s8 =	sshrl.u32 s5, $0x1;
	v11 =	vsel vm1, $0x170E, v11;
	v12 =	vsel vm1, $0x1B16, v12;
	v13 =	vsel vm1, $0x1F1E, v13  }
0x5d: {  	s7 =	smul.u32 $0x10080, s6;
	s6 =	sshll.u32 s6, $0x3;
	s5 =	ssub.s32 s5, s8;
	v15 =	vsel vm1, $0x2366, v16;
	v16 =	vor.u32 $0x28, v2;
	v17 =	vsel vm1, $0x276E, v17  }
0x5e: {  	s3 =	sadd.s32 s3, s6;
	s6 =	simm.s32 $0x4000;
	s8 =	simm.s32 $0x4080;
	v19 =	vsel vm1, $0x2B76, v19;
	v21 =	vsel vm1, $0x2F7E, v21;
	v22 =	vsel vm1, $0x3346, v22  }
0x5f: {  	s4 =	sadd.s32 s4, s7;
	s5 =	smax.u32 s5, $0x1;
	s7 =	simm.s32 $0x1;
	v23 =	vsel vm1, $0x374E, v23;
	v24 =	vsel vm1, $0x3B56, v24;
	v25 =	vsel vm1, $0x3F5E, v25  }
.LBB2_1:
0x60: {  	[tilespmem:s6], [sflag:$0x1] =	stream.linear.gather [hbm4b:s3+s2], $0x40, $0x38;
	[tilespmem:$0x4180] =	vst v63  }
0x61: {  	s14 =	simm.s32 $0x0;
	s15 =	simm.s32 $0x200  }
.LBB2_2:
0x62: {  	p0 =	sne.s32 s15, $0xFE00;
	[tilespmem:s14+$0x70] =	vst v0  }
0x63: {  	[tilespmem:s14+$0x0] =	vst v0  }
0x64: {  	[tilespmem:s14+$0x10] =	vst v0  }
.Ltmp0:
0x65: {  	[tilespmem:s14+$0x20] =	vst v0;
	(pc) =	sbr.rel @p0 .LBB2_2-.Ltmp0, $4  }
0x66: {  	[tilespmem:s14+$0x30] =	vst v0  }
0x67: {  	[tilespmem:s14+$0x40] =	vst v0  }
0x68: {  	[tilespmem:s14+$0x50] =	vst v0  }
0x69: {  	[tilespmem:s14+$0x60] =	vst v0;
	s14 =	sshra.s32 s15, $0x2;
	s15 =	sadd.s32 $0x200, s15  }
0x6a: {  	[tilespmem:s14+$0x70] =	vst v0  }
0x6b: {  	[tilespmem:s14+$0x0] =	vst v0  }
0x6c: {  	[tilespmem:s14+$0x10] =	vst v0  }
0x6d: {  	[tilespmem:s14+$0x20] =	vst v0  }
0x6e: {  	[tilespmem:s14+$0x30] =	vst v0  }
0x6f: {  	[tilespmem:s14+$0x40] =	vst v0  }
0x70: {  	[tilespmem:s14+$0x50] =	vst v0  }
0x71: {  	[tilespmem:s14+$0x60] =	vst v0  }
0x72: {  	_ =	swait.ge [sflag:s7], $0x40  }
0x73: {  	[sflag:s7] =	ssyncset.done $0x0  }
0x74: {  	[sflag:s7] =	ssyncadd.s32 $0xFFFFFFC0  }
0x75: {  	v26 =	vld [tilespmem:$0x4000];
	_ =	sdelay $0x4  }
0x76: {  	v27 =	vmul.f32 $6.366197460e-01, v26;
	_ =	sdelay $0x1  }
0x77: {  	vm1 =	vge.f32 v27, $0.0e+00  }
0x78: {  	v28 =	vsel vm1, $0x3F000000, v1  }
0x79: {  	v27 =	vadd.f32 v28, v27;
	_ =	sdelay $0x1  }
0x7a: {  	v27 =	vtrunc.f32 v27  }
0x7b: {  	v27 =	vcvt.f32.s32 v27  }
0x7c: {  	v30 =	vld [tilespmem:$0x4010]  }
0x7d: {  	v56 =	vcvt.s32.f32 v27;
	_ =	sdelay $0x1  }
0x7e: {  	v29 =	vmul.f32 $1.570785520e+00, v56;
	_ =	sdelay $0x1  }
0x7f: {  	v34 =	vld [tilespmem:$0x4020];
	v58 =	vmul.f32 $6.366197460e-01, v30;
	v57 =	vmul.f32 $1.080433410e-05, v56;
	v26 =	vsub.f32 v26, v29;
	_ =	sdelay $0x1  }
0x80: {  	v63 =	vld [tilespmem:$0x4030];
	vm1 =	vge.f32 v58, $0.0e+00;
	v28 =	vmul.f32 $6.077099930e-11, v56;
	v26 =	vsub.f32 v26, v57  }
0x81: {  	v31 =	vsel vm1, $0x3F000000, v1  }
0x82: {  	v26 =	vsub.f32 v26, v28;
	v28 =	vadd.f32 v31, v58  }
0x83: {  	v38 =	vmul.f32 $6.366197460e-01, v34  }
0x84: {  	v59 =	vmul.f32 v26, v26;
	v28 =	vtrunc.f32 v28  }
0x85: {  	v45 =	vmul.f32 $6.366197460e-01, v63;
	v28 =	vcvt.f32.s32 v28  }
0x86: {  	v32 =	vmul.f32 $2.755731430e-06, v59;
	v61 =	vmul.f32 $2.480158760e-05, v59  }
0x87: {  	vm3 =	vge.f32 v45, $0.0e+00;
	v33 =	vcvt.s32.f32 v28  }
0x88: {  	vm1 =	vge.f32 v38, $0.0e+00;
	v60 =	vadd.f32 $-1.984127010e-04, v32;
	v32 =	vadd.f32 $-1.388888920e-03, v61  }
0x89: {  	v40 =	vsel vm3, $0x3F000000, v1;
	v43 =	vsel vm1, $0x3F000000, v1;
	v36 =	vmul.f32 $1.570785520e+00, v33  }
0x8a: {  	v27 =	vand.u32 $0x3, v27;
	v31 =	vmul.f32 v60, v59;
	v32 =	vmul.f32 v32, v59  }
0x8b: {  	vm1 =	veq.s32 v27, $0x0;
	v62 =	vmul.f32 $1.080433410e-05, v33;
	v30 =	vsub.f32 v30, v36  }
0x8c: {  	v29 =	vmul.f32 v59, v59;
	v31 =	vadd.f32 $8.333333770e-03, v31;
	v32 =	vadd.f32 $4.166666790e-02, v32  }
0x8d: {  	vm2 =	veq.s32 v27, $0x2;
	v33 =	vmul.f32 $6.077099930e-11, v33;
	v30 =	vsub.f32 v30, v62  }
0x8e: {  	v31 =	vmul.f32 v31, v59;
	v29 =	vmul.f32 v32, v29;
	v32 =	vadd.f32 v43, v38  }
0x8f: {  	v35 =	vmul.f32 v59, v26;
	v37 =	vmul.f32 $5.000000000e-01, v59;
	v30 =	vsub.f32 v30, v33  }
0x90: {  	v33 =	vadd.f32 v40, v45;
	v31 =	vadd.f32 $-1.666666720e-01, v31;
	v32 =	vtrunc.f32 v32  }
0x91: {  	v42 =	vsub.f32 $1.000000000e+00, v37;
	v44 =	vmul.f32 v30, v30;
	v32 =	vcvt.f32.s32 v32  }
0x92: {  	vm3 =	veq.s32 v27, $0x1;
	v33 =	vtrunc.f32 v33;
	v31 =	vmul.f32 v31, v35  }
0x93: {  	v29 =	vadd.f32 v29, v42;
	v33 =	vcvt.f32.s32 v33;
	v46 =	vmul.f32 $2.755731430e-06, v44  }
0x94: {  	v28 =	vand.u32 $0x3, v28;
	v39 =	vcvt.s32.f32 v32;
	v48 =	vmul.f32 $2.480158760e-05, v44  }
0x95: {  	v35 =	vsub.f32 $0.0e+00, v29;
	v51 =	vmul.f32 v44, v30;
	v53 =	vmul.f32 $5.000000000e-01, v44  }
0x96: {  	v32 =	vand.u32 $0x3, v32;
	v52 =	vcvt.s32.f32 v33;
	v37 =	vadd.f32 $-1.984127010e-04, v46  }
0x97: {  	v26 =	vadd.f32 v31, v26;
	v31 =	vmul.f32 v44, v44;
	v41 =	vmul.f32 $1.570785520e+00, v39  }
0x98: {  	v49 =	vmul.f32 $1.080433410e-05, v39;
	v50 =	vadd.f32 $-1.388888920e-03, v48;
	v37 =	vmul.f32 v37, v44  }
0x99: {  	v39 =	vmul.f32 $6.077099930e-11, v39;
	v47 =	vsub.f32 $0.0e+00, v26;
	v34 =	vsub.f32 v34, v41  }
0x9a: {  	v27 =	vsel vm2, v35, v26;
	v54 =	vmul.f32 $1.570785520e+00, v52;
	v37 =	vadd.f32 $8.333333770e-03, v37  }
0x9b: {  	v56 =	vmul.f32 $1.080433410e-05, v52;
	v58 =	vmul.f32 $6.077099930e-11, v52;
	v34 =	vsub.f32 v34, v49  }
0x9c: {  	v38 =	vmul.f32 v50, v44;
	v27 =	vsel vm3, v47, v27;
	v37 =	vmul.f32 v37, v44  }
0x9d: {  	v35 =	vsel vm2, v47, v35;
	v36 =	vsub.f32 v63, v54;
	v34 =	vsub.f32 v34, v39  }
0x9e: {  	vm2 =	veq.s32 v28, $0x2;
	v27 =	vsel vm1, v29, v27;
	v37 =	vadd.f32 $-1.666666720e-01, v37  }
0x9f: {  	v29 =	vsel vm3, v29, v35;
	v38 =	vadd.f32 $4.166666790e-02, v38;
	v55 =	vmul.f32 v34, v34  }
0xa0: {  	v26 =	vsel vm1, v26, v29;
	v36 =	vsub.f32 v36, v56;
	v35 =	vmul.f32 v37, v51  }
0xa1: {  	v29 =	vsub.f32 $1.000000000e+00, v53;
	v31 =	vmul.f32 v38, v31;
	v57 =	vmul.f32 $2.755731430e-06, v55  }
0xa2: {  	vm3 =	veq.s32 v28, $0x1;
	v30 =	vadd.f32 v35, v30;
	v35 =	vsub.f32 v36, v58  }
0xa3: {  	v29 =	vadd.f32 v31, v29;
	v62 =	vmul.f32 $2.480158760e-05, v55;
	v59 =	vadd.f32 $-1.984127010e-04, v57  }
0xa4: {  	vm1 =	veq.s32 v28, $0x0;
	v42 =	vmul.f32 $5.000000000e-01, v55;
	v63 =	vmul.f32 v35, v35  }
0xa5: {  	v60 =	vsub.f32 $0.0e+00, v29;
	v46 =	vmul.f32 v55, v34;
	v31 =	vmul.f32 v59, v55  }
0xa6: {  	v38 =	vadd.f32 $-1.388888920e-03, v62;
	v49 =	vsub.f32 $1.000000000e+00, v42;
	v45 =	vmul.f32 $2.755731430e-06, v63  }
0xa7: {  	v41 =	vmul.f32 v55, v55;
	v61 =	vsub.f32 $0.0e+00, v30;
	v31 =	vadd.f32 $8.333333770e-03, v31  }
0xa8: {  	v44 =	vsel vm2, v60, v30;
	v38 =	vmul.f32 v38, v55;
	v40 =	vadd.f32 $-1.984127010e-04, v45  }
0xa9: {  	v28 =	vsel vm3, v61, v44;
	v43 =	vmul.f32 $2.480158760e-05, v63;
	v31 =	vmul.f32 v31, v55  }
0xaa: {  	v36 =	vsel vm2, v61, v60;
	v38 =	vadd.f32 $4.166666790e-02, v38;
	v40 =	vmul.f32 v40, v63  }
0xab: {  	v54 =	vmul.f32 $5.000000000e-01, v63;
	v47 =	vadd.f32 $-1.388888920e-03, v43;
	v31 =	vadd.f32 $-1.666666720e-01, v31  }
0xac: {  	v39 =	vmul.f32 v63, v35;
	v48 =	vmul.f32 v38, v41;
	v40 =	vadd.f32 $8.333333770e-03, v40  }
0xad: {  	vm2 =	veq.s32 v32, $0x2;
	v51 =	vmul.f32 v47, v63;
	v31 =	vmul.f32 v31, v46  }
0xae: {  	v28 =	vsel vm1, v29, v28;
	v52 =	vadd.f32 v48, v49;
	v53 =	vmul.f32 v40, v63  }
0xaf: {  	v55 =	vmul.f32 v63, v63;
	v50 =	vadd.f32 v31, v34;
	v31 =	vadd.f32 $4.166666790e-02, v51  }
0xb0: {  	v29 =	vsel vm3, v29, v36;
	vm3 =	veq.s32 v32, $0x1;
	v36 =	vadd.f32 $-1.666666720e-01, v53  }
0xb1: {  	v37 =	vsub.f32 $1.000000000e+00, v54;
	v56 =	vsub.f32 $0.0e+00, v52;
	v31 =	vmul.f32 v31, v55  }
0xb2: {  	v29 =	vsel vm1, v30, v29;
	v57 =	vsub.f32 $0.0e+00, v50;
	v36 =	vmul.f32 v36, v39  }
0xb3: {  	vm1 =	veq.s32 v32, $0x0;
	v58 =	vsel vm2, v56, v50;
	v31 =	vadd.f32 v31, v37  }
0xb4: {  	[tilespmem:$0x4080] =	vst v27;
	v27 =	vsel vm3, v57, v58;
	v59 =	vsel vm2, v57, v56;
	v35 =	vadd.f32 v36, v35  }
0xb5: {  	[tilespmem:$0x4100] =	vst v26;
	v26 =	vsel vm1, v52, v27;
	v27 =	vand.u32 $0x3, v33;
	v60 =	vsub.f32 $0.0e+00, v31  }
0xb6: {  	[tilespmem:$0x4090] =	vst v28;
	v61 =	vsel vm3, v52, v59;
	vm2 =	veq.s32 v27, $0x2;
	v62 =	vsub.f32 $0.0e+00, v35  }
0xb7: {  	[tilespmem:$0x4110] =	vst v29;
	v28 =	vsel vm1, v50, v61;
	vm1 =	veq.s32 v27, $0x1;
	v63 =	vsel vm2, v60, v35  }
0xb8: {  	[tilespmem:$0x40A0] =	vst v26;
	vm3 =	veq.s32 v27, $0x0;
	v26 =	vsel vm2, v62, v60;
	v27 =	vsel vm1, v62, v63  }
0xb9: {  	[tilespmem:$0x4120] =	vst v28;
	v27 =	vsel vm3, v31, v27;
	v26 =	vsel vm1, v31, v26  }
0xba: {  	v26 =	vsel vm3, v35, v26;
	[tilespmem:$0x40B0] =	vst v27  }
0xbb: {  	[tilespmem:$0x4130] =	vst v26  }
0xbc: {  	v26 =	vld.idx.msk [tilespmem:v2+s9+$0x0], $0xffff;
	_ =	sdelay $0x1  }
0xbd: {  	v27 =	vld.idx.msk [tilespmem:v2+s8+$0x0], $0xffff;
	_ =	sdelay $0x2  }
0xbe: {  	v26 =	vsub.f32 $0.0e+00, v26;
	_ =	sdelay $0x1  }
0xbf: {  	v26 =	vsel vm0, v27, v26  }
0xc0: {  	[tilespmem:v3+s2+$0x0] =	vst.idx.msk $0xffff, v26  }
0xc1: {  	v26 =	vld.idx.msk [tilespmem:v4+s9+$0x0], $0xffff;
	_ =	sdelay $0x1  }
0xc2: {  	v27 =	vld.idx.msk [tilespmem:v4+s8+$0x0], $0xffff;
	_ =	sdelay $0x2  }
0xc3: {  	v26 =	vsub.f32 $0.0e+00, v26;
	_ =	sdelay $0x1  }
0xc4: {  	v26 =	vsel vm0, v27, v26  }
0xc5: {  	[tilespmem:v5+s2+$0x0] =	vst.idx.msk $0xffff, v26  }
0xc6: {  	v26 =	vld.idx.msk [tilespmem:v6+s9+$0x0], $0xffff;
	_ =	sdelay $0x1  }
0xc7: {  	v27 =	vld.idx.msk [tilespmem:v6+s8+$0x0], $0xffff;
	_ =	sdelay $0x2  }
0xc8: {  	v26 =	vsub.f32 $0.0e+00, v26;
	_ =	sdelay $0x1  }
0xc9: {  	v26 =	vsel vm0, v27, v26  }
0xca: {  	[tilespmem:v7+s2+$0x0] =	vst.idx.msk $0xffff, v26  }
0xcb: {  	v26 =	vld.idx.msk [tilespmem:v8+s9+$0x0], $0xffff;
	_ =	sdelay $0x1  }
0xcc: {  	v27 =	vld.idx.msk [tilespmem:v8+s8+$0x0], $0xffff;
	_ =	sdelay $0x2  }
0xcd: {  	v26 =	vsub.f32 $0.0e+00, v26;
	_ =	sdelay $0x1  }
0xce: {  	v26 =	vsel vm0, v27, v26  }
0xcf: {  	[tilespmem:v9+s2+$0x0] =	vst.idx.msk $0xffff, v26  }
0xd0: {  	v26 =	vld.idx.msk [tilespmem:v2+s8+$0x0], $0xffff  }
0xd1: {  	v27 =	vld.idx.msk [tilespmem:v2+s9+$0x0], $0xffff;
	_ =	sdelay $0x4  }
0xd2: {  	v26 =	vsel vm0, v26, v27  }
0xd3: {  	[tilespmem:v10+s2+$0x0] =	vst.idx.msk $0xffff, v26  }
0xd4: {  	v26 =	vld.idx.msk [tilespmem:v4+s8+$0x0], $0xffff  }
0xd5: {  	v27 =	vld.idx.msk [tilespmem:v4+s9+$0x0], $0xffff;
	_ =	sdelay $0x4  }
0xd6: {  	v26 =	vsel vm0, v26, v27  }
0xd7: {  	[tilespmem:v11+s2+$0x0] =	vst.idx.msk $0xffff, v26  }
0xd8: {  	v26 =	vld.idx.msk [tilespmem:v6+s8+$0x0], $0xffff  }
0xd9: {  	v27 =	vld.idx.msk [tilespmem:v6+s9+$0x0], $0xffff;
	_ =	sdelay $0x4  }
0xda: {  	v26 =	vsel vm0, v26, v27  }
0xdb: {  	[tilespmem:v12+s2+$0x0] =	vst.idx.msk $0xffff, v26  }
0xdc: {  	v26 =	vld.idx.msk [tilespmem:v8+s8+$0x0], $0xffff  }
0xdd: {  	v27 =	vld.idx.msk [tilespmem:v8+s9+$0x0], $0xffff;
	_ =	sdelay $0x4  }
0xde: {  	v26 =	vsel vm0, v26, v27  }
0xdf: {  	[tilespmem:v13+s2+$0x0] =	vst.idx.msk $0xffff, v26  }
0xe0: {  	v26 =	vld.idx.msk [tilespmem:v14+s9+$0x0], $0xffff;
	_ =	sdelay $0x1  }
0xe1: {  	v27 =	vld.idx.msk [tilespmem:v14+s8+$0x0], $0xffff;
	_ =	sdelay $0x2  }
0xe2: {  	v26 =	vsub.f32 $0.0e+00, v26;
	_ =	sdelay $0x1  }
0xe3: {  	v26 =	vsel vm0, v27, v26  }
0xe4: {  	[tilespmem:v15+s2+$0x0] =	vst.idx.msk $0xffff, v26  }
0xe5: {  	v26 =	vld.idx.msk [tilespmem:v16+s9+$0x0], $0xffff;
	_ =	sdelay $0x1  }
0xe6: {  	v27 =	vld.idx.msk [tilespmem:v16+s8+$0x0], $0xffff;
	_ =	sdelay $0x2  }
0xe7: {  	v26 =	vsub.f32 $0.0e+00, v26;
	_ =	sdelay $0x1  }
0xe8: {  	v26 =	vsel vm0, v27, v26  }
0xe9: {  	[tilespmem:v17+s2+$0x0] =	vst.idx.msk $0xffff, v26  }
0xea: {  	v26 =	vld.idx.msk [tilespmem:v18+s9+$0x0], $0xffff;
	_ =	sdelay $0x1  }
0xeb: {  	v27 =	vld.idx.msk [tilespmem:v18+s8+$0x0], $0xffff;
	_ =	sdelay $0x2  }
0xec: {  	v26 =	vsub.f32 $0.0e+00, v26;
	_ =	sdelay $0x1  }
0xed: {  	v26 =	vsel vm0, v27, v26  }
0xee: {  	[tilespmem:v19+s2+$0x0] =	vst.idx.msk $0xffff, v26  }
0xef: {  	v26 =	vld.idx.msk [tilespmem:v20+s9+$0x0], $0xffff;
	_ =	sdelay $0x1  }
0xf0: {  	v27 =	vld.idx.msk [tilespmem:v20+s8+$0x0], $0xffff;
	_ =	sdelay $0x2  }
0xf1: {  	v26 =	vsub.f32 $0.0e+00, v26;
	_ =	sdelay $0x1  }
0xf2: {  	v26 =	vsel vm0, v27, v26  }
0xf3: {  	[tilespmem:v21+s2+$0x0] =	vst.idx.msk $0xffff, v26  }
0xf4: {  	v26 =	vld.idx.msk [tilespmem:v14+s8+$0x0], $0xffff  }
0xf5: {  	v27 =	vld.idx.msk [tilespmem:v14+s9+$0x0], $0xffff;
	_ =	sdelay $0x4  }
0xf6: {  	v26 =	vsel vm0, v26, v27  }
0xf7: {  	[tilespmem:v22+s2+$0x0] =	vst.idx.msk $0xffff, v26  }
0xf8: {  	v26 =	vld.idx.msk [tilespmem:v16+s8+$0x0], $0xffff  }
0xf9: {  	v27 =	vld.idx.msk [tilespmem:v16+s9+$0x0], $0xffff;
	_ =	sdelay $0x4  }
0xfa: {  	v26 =	vsel vm0, v26, v27  }
0xfb: {  	[tilespmem:v23+s2+$0x0] =	vst.idx.msk $0xffff, v26  }
0xfc: {  	v26 =	vld.idx.msk [tilespmem:v18+s8+$0x0], $0xffff  }
0xfd: {  	v27 =	vld.idx.msk [tilespmem:v18+s9+$0x0], $0xffff;
	_ =	sdelay $0x4  }
0xfe: {  	v26 =	vsel vm0, v26, v27  }
0xff: {  	[tilespmem:v24+s2+$0x0] =	vst.idx.msk $0xffff, v26  }
0x100: {  	v26 =	vld.idx.msk [tilespmem:v20+s8+$0x0], $0xffff  }
0x101: {  	v27 =	vld.idx.msk [tilespmem:v20+s9+$0x0], $0xffff;
	_ =	sdelay $0x3  }
0x102: {  	s13 =	sadd.s32 $0x1, s13  }
0x103: {  	p0 =	sne.s32 s13, s5;
	v26 =	vsel vm0, v26, v27  }
.Ltmp1:
0x104: {  	[tilespmem:v25+s2+$0x0] =	vst.idx.msk $0xffff, v26;
	(pc) =	sbr.rel @p0 .LBB2_1-.Ltmp1, $4  }
0x105: {  	[hbm4b:s4+s10] =	stream.strided.scatter [tilespmem:s2], [sflag:$0x2], $0x4000, s11, s10, $0x38;
	[tilespmem:$0x4180] =	vst v63  }
0x106: {  	_ =	swait.ge [sflag:s12], $0x4000  }
0x107: {  	[sflag:s12] =	ssyncset.done $0x0  }
0x108: {  	[sflag:s12] =	ssyncadd.s32 $0xFFFFC000  }
0x109: {  	_ =	sfence.sel $0x180000  }
0x10a: {  	[bflag:$0x0] =	sbarrier.arrive $0xFFFF  }
0x10b: {  	p0 =	sne.s32 s0, $0x0;
	_ =	strace $0x90000047  }
0x10c: {  	s0 =	sadd.s32 @!p0 $0x100000, s1;
	[bflag:$0x2] =	sbarrier.arrive $0xFFFF  }
0x10d: {  	[sflag:s0] =	ssyncadd.tile.s32 @!p0 $0x1;
	_ =	shalt  }
.Lfunc_end2:
_tile_overlayer_lowered:
.L_overlay_start_2:
0x10e: {  	(tag) =	ssettag $0x2  }
0x10f: {  	s0 =	rddreg [dreg:$0x0];
	s2 =	stileid.u32  }
0x110: {  	s1 =	rddreg [dreg:$0x1];
	p0 =	sne.s32 s2, $0x0  }
0x111: {  	s3 =	rddreg [dreg:$0x2];
	[bflag:$0x3] =	sbarrier.arrive $0xFFFF;
	s2 =	simm.s32 @!p0 $0x1C02  }
0x112: {  	[timem:s3], [sflag:s2] =	dma.local @!p0 [hbm:s0], s1  }
0x113: {  	s0 =	simm.s32 @!p0 $0x2  }
0x114: {  	_ =	swait.ge @!p0 [sflag:s0], s1  }
0x115: {  	s1 =	ssub.s32 @!p0 $0x0, s1;
	[sflag:s0] =	ssyncset.done @!p0 $0x0  }
0x116: {  	[sflag:s0] =	ssyncadd.s32 @!p0 s1  }
0x117: {  	[bflag:$0x3] =	sbarrier.arrive $0xFFFF  }
0x118: {  	_ =	shalt  }

</sc_bundles>
